<compile_context>
chip_gen: v7x
topology: tpu7x:2x2x1
jax: 0.10.2.dev20260603
libtpu: 0.0.44.dev20260713+nightly
codegen_flags: <defaults>
</compile_context>

<pallas_src>
import functools

import jax
import jax.numpy as jnp
import numpy as np
from jax import lax
from jax.experimental import pallas as pl
from jax.experimental.pallas import tpu as pltpu
from jax.experimental.pallas import tpu_sc as plsc

CUTOFF = 10.0

_NC = 2
_NS = 16
_NW = _NC * _NS
_LANES = 16


_SSP_COEF = (3.5569863712225924e-06, 0.12497252665845734, -0.005172411501547311,
             0.0003282103940751628, -2.088206334681123e-05,
             1.1289928774409745e-06, -4.6605211875865655e-08,
             1.3612389304211794e-09, -2.609402312738333e-11,
             2.921410155424878e-13, -1.4413872274671075e-15)


_COS_COEF = (0.9999999922898464, -0.49999991770959556, 0.04166652433757511,
             -0.0013887970265677564, 2.4773420813744614e-05,
             -2.7113337726357255e-07, 1.7368996060426488e-09)


def _ssp(t):
    a = jnp.abs(t)
    u = jnp.minimum(t * t, 36.0)
    g = jnp.float32(_SSP_COEF[-1])
    for coef in _SSP_COEF[-2::-1]:
        g = g * u + jnp.float32(coef)
    return 0.5 * t + g + 0.5 * jnp.maximum(a - 6.0, 0.0)


def _h_body(x_ref, w1_ref, o_ref):
    o_ref[...] = lax.dot_general(
        x_ref[...], w1_ref[...], (((1,), (1,)), ((), ())),
        preferred_element_type=jnp.float32)


def _compute_h(x, W1):
    N, H = x.shape
    return pl.pallas_call(
        _h_body,
        out_shape=jax.ShapeDtypeStruct((N, W1.shape[0]), jnp.float32),
    )(x, W1)


def _w_body(ea_ref, el_ref, w1_ref, b1_ref, w2_ref, b2_ref, o_ref):
    t = lax.dot_general(ea_ref[...], w1_ref[...], (((0,), (1,)), ((), ())),
                        preferred_element_type=jnp.float32)
    t = _ssp(t + b1_ref[...])
    t = lax.dot_general(t, w2_ref[...], (((1,), (1,)), ((), ())),
                        preferred_element_type=jnp.float32)
    t = t + b2_ref[...]
    BE, F = t.shape
    el = el_ref[...]
    y2 = jnp.square(el * (np.pi / CUTOFF))
    cosv = jnp.float32(_COS_COEF[-1])
    for coef in _COS_COEF[-2::-1]:
        cosv = cosv * y2 + jnp.float32(coef)
    c = 0.5 * (cosv + 1.0)
    c = c * (el <= CUTOFF).astype(jnp.float32) * (el >= 0.0).astype(jnp.float32)
    o_ref[...] = t * lax.transpose(c, (1, 0))


def _compute_w(ea_t, el_t, dn_w1, dn_b1, dn_w2, dn_b2, e0, ep):
    G = ea_t.shape[0]
    F = dn_w1.shape[0]
    BE = 3200
    grid = ep // BE
    blk0 = e0 // BE
    return pl.pallas_call(
        _w_body,
        grid=(grid,),
        in_specs=[
            pl.BlockSpec((G, BE), lambda i: (0, i + blk0)),
            pl.BlockSpec((1, BE), lambda i: (0, i + blk0)),
            pl.BlockSpec((F, G), lambda i: (0, 0)),
            pl.BlockSpec((1, F), lambda i: (0, 0)),
            pl.BlockSpec((F, F), lambda i: (0, 0)),
            pl.BlockSpec((1, F), lambda i: (0, 0)),
        ],
        out_specs=pl.BlockSpec((BE, F), lambda i: (i, 0)),
        out_shape=jax.ShapeDtypeStruct((ep, F), jnp.float32),
    )(ea_t, el_t, dn_w1, dn_b1.reshape(1, F), dn_w2, dn_b2.reshape(1, F))


def _sc_gms(h, w, src3, dst3):
    N, H = h.shape
    E = w.shape[0]
    per_w = E // _NW
    CH = src3.shape[2]
    n_chunks = src3.shape[1]
    assert per_w == CH * n_chunks and H == 128
    ZR = 16
    npad = -(-N // (_NS * ZR)) * _NS * ZR
    rows_per_tile = npad // _NS
    n_bounce = rows_per_tile // ZR
    HV = H // _LANES

    def body(h_hbm, w_hbm, src_hbm, dst_hbm, out_hbm,
             src_v, dst_v, hbuf, wbuf, bb_v, agg_sh):
        c = lax.axis_index("c")
        s = lax.axis_index("s")
        wid = s * _NC + c

        zvec = jnp.zeros((_LANES,), jnp.float32)

        def zrow(r, _):
            for k in range(HV):
                bb_v[r, pl.ds(k * _LANES, _LANES)] = zvec
            return 0
        lax.fori_loop(0, ZR, zrow, 0)

        def zcopy(j, _):
            pltpu.sync_copy(bb_v, agg_sh.at[pl.ds(s * rows_per_tile + j * ZR, ZR)])
            return 0
        lax.fori_loop(0, n_bounce, zcopy, 0)

        plsc.subcore_barrier()

        base0 = wid * per_w

        def chunk(i, _):
            pltpu.sync_copy(src_hbm.at[wid, i], src_v)
            pltpu.sync_copy(dst_hbm.at[wid, i], dst_v)
            pltpu.sync_copy(h_hbm.at[src_v], hbuf)
            pltpu.sync_copy(w_hbm.at[pl.ds(base0 + i * CH, CH)], wbuf)

            def mrow(r, _):
                for k in range(HV):
                    sl = pl.ds(k * _LANES, _LANES)
                    wbuf[r, sl] = wbuf[r, sl] * hbuf[r, sl]
                return 0
            lax.fori_loop(0, CH, mrow, 0)
            pltpu.sync_copy(wbuf, agg_sh.at[dst_v], add=True)
            return 0
        lax.fori_loop(0, n_chunks, chunk, 0)
        plsc.subcore_barrier()

        def ocopy(j, _):
            r0 = s * rows_per_tile + j * ZR
            pltpu.sync_copy(agg_sh.at[pl.ds(r0, ZR)], bb_v)
            pltpu.sync_copy(bb_v, out_hbm.at[c, pl.ds(r0, ZR)])
            return 0
        lax.fori_loop(0, n_bounce, ocopy, 0)

    mesh = plsc.VectorSubcoreMesh(core_axis_name="c", subcore_axis_name="s")
    return pl.kernel(
        body,
        out_type=jax.ShapeDtypeStruct((_NC, npad, H), jnp.float32),
        mesh=mesh,
        scratch_types=[
            pltpu.VMEM((CH,), jnp.int32),
            pltpu.VMEM((CH,), jnp.int32),
            pltpu.VMEM((CH, H), jnp.float32),
            pltpu.VMEM((CH, H), jnp.float32),
            pltpu.VMEM((ZR, H), jnp.float32),
            pltpu.VMEM_SHARED((npad, H), jnp.float32),
        ],
    )(h, w, src3, dst3)


def _out_body(p0_ref, p1_ref, w2_ref, b2_ref, lw_ref, lb_ref, o_ref):
    agg = p0_ref[0] + p0_ref[1] + p1_ref[0] + p1_ref[1]
    t = lax.dot_general(agg, w2_ref[...], (((1,), (1,)), ((), ())),
                        preferred_element_type=jnp.float32)
    t = _ssp(t + b2_ref[...])
    o_ref[...] = lax.dot_general(t, lw_ref[...], (((1,), (1,)), ((), ())),
                                 preferred_element_type=jnp.float32) + lb_ref[...]


def _compute_out(partials, N, W2, b2, lin_w, lin_b):
    F = partials[0].shape[2]
    H = W2.shape[0]
    BN = 1000
    grid = N // BN
    pspec = pl.BlockSpec((_NC, BN, F), lambda i: (0, i, 0))
    return pl.pallas_call(
        _out_body,
        grid=(grid,),
        in_specs=[
            pspec, pspec,
            pl.BlockSpec((H, F), lambda i: (0, 0)),
            pl.BlockSpec((1, H), lambda i: (0, 0)),
            pl.BlockSpec((H, H), lambda i: (0, 0)),
            pl.BlockSpec((1, H), lambda i: (0, 0)),
        ],
        out_specs=pl.BlockSpec((BN, H), lambda i: (i, 0)),
        out_shape=jax.ShapeDtypeStruct((N, H), jnp.float32),
    )(*partials, W2, b2.reshape(1, H), lin_w, lin_b.reshape(1, H))


def kernel(x, edge_index, edge_length, edge_attr,
           W1, dn_w1, dn_b1, dn_w2, dn_b2, W2, b2, lin_w, lin_b):
    E = edge_attr.shape[0]
    h = _compute_h(x, W1)
    el_t = edge_length.reshape(1, E)
    ea_t = edge_attr.T
    src = edge_index[0]
    dst = edge_index[1]
    CH = 80
    bounds = (0, 128000, E)
    partials = []
    for k in range(2):
        e0, e1 = bounds[k], bounds[k + 1]
        ep = e1 - e0
        w_p = _compute_w(ea_t, el_t, dn_w1, dn_b1, dn_w2, dn_b2, e0, ep)
        nck = ep // (_NW * CH)
        src3 = src[e0:e1].reshape(_NW, nck, CH)
        dst3 = dst[e0:e1].reshape(_NW, nck, CH)
        partials.append(_sc_gms(h, w_p, src3, dst3))
    return _compute_out(partials, x.shape[0], W2, b2, lin_w, lin_b)

# --- scband reference (transcript-rebuilt; emitter-appended) ---
"""Pipeline reference for scband-interaction-block-89352499626118 (READ-ONLY COPY).

The authoritative reference and input builder live on the scoring server;
editing this copy changes nothing except your own understanding.
"""

import jax, jax.numpy as jnp
import numpy as np

CUTOFF = 10.0

def ssp(v):
    return jax.nn.softplus(v) - jnp.log(2.0)

def setup_inputs(seed: int = 0) -> dict:
    key = jax.random.key(seed)
    ks = jax.random.split(key, 14)
    N, E, H, F, G = 10000, 320000, 128, 128, 16
    inp = {}
    inp['x'] = jax.random.normal(ks[0], (N, H), dtype=jnp.float32)
    inp['edge_index'] = jax.random.randint(ks[1], (2, E), 0, N, dtype=jnp.int32)
    inp['edge_length'] = jax.random.uniform(ks[2], (E,), dtype=jnp.float32)
    inp['edge_attr'] = jax.random.normal(ks[3], (E, G), dtype=jnp.float32)
    # ConvBlock params
    inp['W1'] = jax.random.normal(ks[4], (F, H), dtype=jnp.float32) * 0.05      # lin1 (no bias)
    inp['dn_w1'] = jax.random.normal(ks[5], (F, G), dtype=jnp.float32) * 0.05   # distnn[0]
    inp['dn_b1'] = jnp.zeros((F,), dtype=jnp.float32)
    inp['dn_w2'] = jax.random.normal(ks[6], (F, F), dtype=jnp.float32) * 0.05   # distnn[2]
    inp['dn_b2'] = jnp.zeros((F,), dtype=jnp.float32)
    inp['W2'] = jax.random.normal(ks[7], (H, F), dtype=jnp.float32) * 0.05      # lin2
    inp['b2'] = jnp.zeros((H,), dtype=jnp.float32)
    # InteractionBlock final lin
    inp['lin_w'] = jax.random.normal(ks[8], (H, H), dtype=jnp.float32) * 0.05
    inp['lin_b'] = jnp.zeros((H,), dtype=jnp.float32)
    return inp

def reference(x, edge_index, edge_length, edge_attr, W1, dn_w1, dn_b1, dn_w2, dn_b2, W2, b2, lin_w, lin_b):
    N = x.shape[0]
    # distnn: Linear -> ShiftedSoftplus -> Linear
    W = ssp(edge_attr @ dn_w1.T + dn_b1) @ dn_w2.T + dn_b2
    # cosine cutoff envelope
    C = 0.5 * (jnp.cos(edge_length * np.pi / CUTOFF) + 1.0)
    C = C * (edge_length <= CUTOFF).astype(x.dtype) * (edge_length >= 0.0).astype(x.dtype)
    W = W * C[:, None]
    # lin1 (no bias)
    h = x @ W1.T
    # message passing: message = x_j * W; aggr='add' at destination nodes
    src = edge_index[0]
    dst = edge_index[1]
    msg = h[src] * W
    agg = jax.ops.segment_sum(msg, dst, num_segments=N)
    # lin2
    out = agg @ W2.T + b2
    # InteractionBlock: act + lin
    out = ssp(out)
    out = out @ lin_w.T + lin_b
    return out

if __name__ == "__main__":
    import jax
    _d = setup_inputs()
    print(jax.jit(kernel)(*tuple(_d.values())))

</pallas_src>

<mosaic_0001>
#map = affine_map<(d0, d1) -> (0, 0)>
#map1 = affine_map<(d0, d1) -> (0, 0, 0)>
module attributes {stable_mosaic.version = 14 : i64} {
  func.func @body(%arg0: i32, %arg1: i32, %arg2: memref<10000x128xf32, #tpu.memory_space<hbm>>, %arg3: memref<128000x128xf32, #tpu.memory_space<hbm>>, %arg4: memref<32x50x80xi32, #tpu.memory_space<hbm>>, %arg5: memref<32x50x80xi32, #tpu.memory_space<hbm>>, %arg6: memref<2x10240x128xf32, #tpu.memory_space<hbm>>, %arg7: memref<80xi32, #tpu.memory_space<vmem>>, %arg8: memref<80xi32, #tpu.memory_space<vmem>>, %arg9: memref<80x128xf32, #tpu.memory_space<vmem>>, %arg10: memref<80x128xf32, #tpu.memory_space<vmem>>, %arg11: memref<16x128xf32, #tpu.memory_space<vmem>>, %arg12: memref<10240x128xf32, #tpu.memory_space<vmem_shared>>) attributes {dimension_semantics = [#tpu.dimension_semantics<core_parallel>, #tpu.dimension_semantics<subcore_parallel>], iteration_bounds = array<i64: 2, 16>, scalar_prefetch = 0 : i64, scratch_operands = 6 : i64, tpu.core_type = #tpu.core_type<sc_vector_subcore>, window_params = [{transform_indices = #map}, {transform_indices = #map}, {transform_indices = #map1}, {transform_indices = #map1}, {transform_indices = #map1}]} {
    %mul3A = arith.constant 2 : i32
    %mul3A_0 = arith.muli %arg1, %mul3A : i32
    %add3A = arith.addi %mul3A_0, %arg0 : i32
    %broadcast_in_dim3A = arith.constant 0.000000e+00 : f32
    %broadcast_in_dim3A_1 = vector.broadcast %broadcast_in_dim3A : f32 to vector<16xf32>
    %scan3A = arith.constant 0 : i32
    %scan3A_2 = arith.constant 0 : i32
    %scan3A_3 = arith.constant 16 : i32
    %scan3A_4 = arith.addi %scan3A_2, %scan3A_3 : i32
    %scan3A_5 = arith.constant 1 : i32
    %scan3A_6 = scf.for %scan3A_32 = %scan3A_2 to %scan3A_4 step %scan3A_5 iter_args(%scan3A_33 = %scan3A) -> (i32)  : i32 {
      %swap3A = arith.index_cast %scan3A_32 : i32 to index
      %swap3A_34 = arith.constant 0 : index
      %swap3A_35 = tpu.vector_load %arg11[%swap3A, %swap3A_34] {strides = array<i32>} : memref<16x128xf32, #tpu.memory_space<vmem>>, vector<1x16xf32>,
      %swap3A_36 = vector.shape_cast %swap3A_35 : vector<1x16xf32> to vector<16xf32>
      %swap3A_37 = vector.shape_cast %broadcast_in_dim3A_1 : vector<16xf32> to vector<1x16xf32>
      tpu.vector_store %arg11[%swap3A, %swap3A_34], %swap3A_37 {strides = array<i32>} : memref<16x128xf32, #tpu.memory_space<vmem>>, vector<1x16xf32>,
      %swap3A_38 = arith.index_cast %scan3A_32 : i32 to index
      %swap3A_39 = arith.constant 16 : index
      %swap3A_40 = tpu.vector_load %arg11[%swap3A_38, %swap3A_39] {strides = array<i32>} : memref<16x128xf32, #tpu.memory_space<vmem>>, vector<1x16xf32>,
      %swap3A_41 = vector.shape_cast %swap3A_40 : vector<1x16xf32> to vector<16xf32>
      %swap3A_42 = vector.shape_cast %broadcast_in_dim3A_1 : vector<16xf32> to vector<1x16xf32>
      tpu.vector_store %arg11[%swap3A_38, %swap3A_39], %swap3A_42 {strides = array<i32>} : memref<16x128xf32, #tpu.memory_space<vmem>>, vector<1x16xf32>,
      %swap3A_43 = arith.index_cast %scan3A_32 : i32 to index
      %swap3A_44 = arith.constant 32 : index
      %swap3A_45 = tpu.vector_load %arg11[%swap3A_43, %swap3A_44] {strides = array<i32>} : memref<16x128xf32, #tpu.memory_space<vmem>>, vector<1x16xf32>,
      %swap3A_46 = vector.shape_cast %swap3A_45 : vector<1x16xf32> to vector<16xf32>
      %swap3A_47 = vector.shape_cast %broadcast_in_dim3A_1 : vector<16xf32> to vector<1x16xf32>
      tpu.vector_store %arg11[%swap3A_43, %swap3A_44], %swap3A_47 {strides = array<i32>} : memref<16x128xf32, #tpu.memory_space<vmem>>, vector<1x16xf32>,
      %swap3A_48 = arith.index_cast %scan3A_32 : i32 to index
      %swap3A_49 = arith.constant 48 : index
      %swap3A_50 = tpu.vector_load %arg11[%swap3A_48, %swap3A_49] {strides = array<i32>} : memref<16x128xf32, #tpu.memory_space<vmem>>, vector<1x16xf32>,
      %swap3A_51 = vector.shape_cast %swap3A_50 : vector<1x16xf32> to vector<16xf32>
      %swap3A_52 = vector.shape_cast %broadcast_in_dim3A_1 : vector<16xf32> to vector<1x16xf32>
      tpu.vector_store %arg11[%swap3A_48, %swap3A_49], %swap3A_52 {strides = array<i32>} : memref<16x128xf32, #tpu.memory_space<vmem>>, vector<1x16xf32>,
      %swap3A_53 = arith.index_cast %scan3A_32 : i32 to index
      %swap3A_54 = arith.constant 64 : index
      %swap3A_55 = tpu.vector_load %arg11[%swap3A_53, %swap3A_54] {strides = array<i32>} : memref<16x128xf32, #tpu.memory_space<vmem>>, vector<1x16xf32>,
      %swap3A_56 = vector.shape_cast %swap3A_55 : vector<1x16xf32> to vector<16xf32>
      %swap3A_57 = vector.shape_cast %broadcast_in_dim3A_1 : vector<16xf32> to vector<1x16xf32>
      tpu.vector_store %arg11[%swap3A_53, %swap3A_54], %swap3A_57 {strides = array<i32>} : memref<16x128xf32, #tpu.memory_space<vmem>>, vector<1x16xf32>,
      %swap3A_58 = arith.index_cast %scan3A_32 : i32 to index
      %swap3A_59 = arith.constant 80 : index
      %swap3A_60 = tpu.vector_load %arg11[%swap3A_58, %swap3A_59] {strides = array<i32>} : memref<16x128xf32, #tpu.memory_space<vmem>>, vector<1x16xf32>,
      %swap3A_61 = vector.shape_cast %swap3A_60 : vector<1x16xf32> to vector<16xf32>
      %swap3A_62 = vector.shape_cast %broadcast_in_dim3A_1 : vector<16xf32> to vector<1x16xf32>
      tpu.vector_store %arg11[%swap3A_58, %swap3A_59], %swap3A_62 {strides = array<i32>} : memref<16x128xf32, #tpu.memory_space<vmem>>, vector<1x16xf32>,
      %swap3A_63 = arith.index_cast %scan3A_32 : i32 to index
      %swap3A_64 = arith.constant 96 : index
      %swap3A_65 = tpu.vector_load %arg11[%swap3A_63, %swap3A_64] {strides = array<i32>} : memref<16x128xf32, #tpu.memory_space<vmem>>, vector<1x16xf32>,
      %swap3A_66 = vector.shape_cast %swap3A_65 : vector<1x16xf32> to vector<16xf32>
      %swap3A_67 = vector.shape_cast %broadcast_in_dim3A_1 : vector<16xf32> to vector<1x16xf32>
      tpu.vector_store %arg11[%swap3A_63, %swap3A_64], %swap3A_67 {strides = array<i32>} : memref<16x128xf32, #tpu.memory_space<vmem>>, vector<1x16xf32>,
      %swap3A_68 = arith.index_cast %scan3A_32 : i32 to index
      %swap3A_69 = arith.constant 112 : index
      %swap3A_70 = tpu.vector_load %arg11[%swap3A_68, %swap3A_69] {strides = array<i32>} : memref<16x128xf32, #tpu.memory_space<vmem>>, vector<1x16xf32>,
      %swap3A_71 = vector.shape_cast %swap3A_70 : vector<1x16xf32> to vector<16xf32>
      %swap3A_72 = vector.shape_cast %broadcast_in_dim3A_1 : vector<16xf32> to vector<1x16xf32>
      tpu.vector_store %arg11[%swap3A_68, %swap3A_69], %swap3A_72 {strides = array<i32>} : memref<16x128xf32, #tpu.memory_space<vmem>>, vector<1x16xf32>,
      %scan3A_73 = arith.constant 0 : i32
      scf.yield %scan3A_73 : i32
    }
    %scan3A_7 = arith.constant 16 : i32
    %scan3A_8 = arith.constant 0 : i32
    %scan3A_9 = arith.constant 0 : i32
    %scan3A_10 = arith.constant 40 : i32
    %scan3A_11 = arith.addi %scan3A_9, %scan3A_10 : i32
    %scan3A_12 = arith.constant 1 : i32
    %scan3A_13 = scf.for %scan3A_32 = %scan3A_9 to %scan3A_11 step %scan3A_12 iter_args(%scan3A_33 = %scan3A_8) -> (i32)  : i32 {
      %mul3A_34 = arith.constant 640 : i32
      %mul3A_35 = arith.muli %arg1, %mul3A_34 : i32
      %mul3A_36 = arith.constant 16 : i32
      %mul3A_37 = arith.muli %scan3A_32, %mul3A_36 : i32
      %add3A_38 = arith.addi %mul3A_35, %mul3A_37 : i32
      "tpu.region"() ({
        %run_scoped3A = tpu.sem_alloc : memref<!tpu.dma_semaphore, #tpu.memory_space<semaphore_mem>>
        %dma_start3A = arith.constant 0 : i32
        %dma_start3A_40 = tpu.memref_slice %arg12[%add3A_38, %dma_start3A] : memref<10240x128xf32, #tpu.memory_space<vmem_shared>> -> memref<16x128xf32, #tpu.memory_space<vmem_shared>>
        %dma_start3A_41 = arith.constant 0 : i32
        %dma_start3A_42 = tpu.memref_slice %arg12[%add3A_38, %dma_start3A_41] : memref<10240x128xf32, #tpu.memory_space<vmem_shared>> -> memref<16x128xf32, #tpu.memory_space<vmem_shared>>
        tpu.enqueue_dma source(%arg11 : memref<16x128xf32, #tpu.memory_space<vmem>>) target(%dma_start3A_42 : memref<16x128xf32, #tpu.memory_space<vmem_shared>>) target_semaphore(%run_scoped3A : memref<!tpu.dma_semaphore, #tpu.memory_space<semaphore_mem>>)
        %dma_wait3A = arith.constant 0 : i32
        %dma_wait3A_43 = tpu.memref_slice %arg12[%add3A_38, %dma_wait3A] : memref<10240x128xf32, #tpu.memory_space<vmem_shared>> -> memref<16x128xf32, #tpu.memory_space<vmem_shared>>
        %dma_wait3A_44 = arith.constant 0 : i32
        %dma_wait3A_45 = tpu.memref_slice %arg12[%add3A_38, %dma_wait3A_44] : memref<10240x128xf32, #tpu.memory_space<vmem_shared>> -> memref<16x128xf32, #tpu.memory_space<vmem_shared>>
        tpu.wait_dma2 semaphore(%run_scoped3A : memref<!tpu.dma_semaphore, #tpu.memory_space<semaphore_mem>>) src(%arg11 : memref<16x128xf32, #tpu.memory_space<vmem>>) dst(%dma_wait3A_45 : memref<16x128xf32, #tpu.memory_space<vmem_shared>>)
        tpu.yield
      }) : () -> ()
      %scan3A_39 = arith.constant 0 : i32
      scf.yield %scan3A_39 : i32
    }
    %scan3A_14 = arith.constant 40 : i32
    %barrier3A = arith.constant 0 : index
    tpu.barrier barrier_id(%barrier3A)
    %mul3A_15 = arith.constant 4000 : i32
    %mul3A_16 = arith.muli %add3A, %mul3A_15 : i32
    %scan3A_17 = arith.constant 0 : i32
    %scan3A_18 = arith.constant 0 : i32
    %scan3A_19 = arith.constant 50 : i32
    %scan3A_20 = arith.addi %scan3A_18, %scan3A_19 : i32
    %scan3A_21 = arith.constant 1 : i32
    %scan3A_22 = scf.for %scan3A_32 = %scan3A_18 to %scan3A_20 step %scan3A_21 iter_args(%scan3A_33 = %scan3A_17) -> (i32)  : i32 {
      "tpu.region"() ({
        %run_scoped3A = tpu.sem_alloc : memref<!tpu.dma_semaphore, #tpu.memory_space<semaphore_mem>>
        %dma_start3A = arith.constant 0 : i32
        %dma_start3A_45 = tpu.memref_slice %arg4[%add3A, %scan3A_32, %dma_start3A] : memref<32x50x80xi32, #tpu.memory_space<hbm>> -> memref<1x1x80xi32, #tpu.memory_space<hbm>>
        %dma_start3A_46 = tpu.memref_squeeze %dma_start3A_45 : memref<1x1x80xi32, #tpu.memory_space<hbm>> -> memref<80xi32, #tpu.memory_space<hbm>>
        %dma_start3A_47 = arith.constant 0 : i32
        %dma_start3A_48 = tpu.memref_slice %arg4[%add3A, %scan3A_32, %dma_start3A_47] : memref<32x50x80xi32, #tpu.memory_space<hbm>> -> memref<1x1x80xi32, #tpu.memory_space<hbm>>
        %dma_start3A_49 = tpu.memref_squeeze %dma_start3A_48 : memref<1x1x80xi32, #tpu.memory_space<hbm>> -> memref<80xi32, #tpu.memory_space<hbm>>
        tpu.enqueue_dma source(%dma_start3A_49 : memref<80xi32, #tpu.memory_space<hbm>>) target(%arg7 : memref<80xi32, #tpu.memory_space<vmem>>) target_semaphore(%run_scoped3A : memref<!tpu.dma_semaphore, #tpu.memory_space<semaphore_mem>>)
        %dma_wait3A = arith.constant 0 : i32
        %dma_wait3A_50 = tpu.memref_slice %arg4[%add3A, %scan3A_32, %dma_wait3A] : memref<32x50x80xi32, #tpu.memory_space<hbm>> -> memref<1x1x80xi32, #tpu.memory_space<hbm>>
        %dma_wait3A_51 = tpu.memref_squeeze %dma_wait3A_50 : memref<1x1x80xi32, #tpu.memory_space<hbm>> -> memref<80xi32, #tpu.memory_space<hbm>>
        %dma_wait3A_52 = arith.constant 0 : i32
        %dma_wait3A_53 = tpu.memref_slice %arg4[%add3A, %scan3A_32, %dma_wait3A_52] : memref<32x50x80xi32, #tpu.memory_space<hbm>> -> memref<1x1x80xi32, #tpu.memory_space<hbm>>
        %dma_wait3A_54 = tpu.memref_squeeze %dma_wait3A_53 : memref<1x1x80xi32, #tpu.memory_space<hbm>> -> memref<80xi32, #tpu.memory_space<hbm>>
        tpu.wait_dma2 semaphore(%run_scoped3A : memref<!tpu.dma_semaphore, #tpu.memory_space<semaphore_mem>>) src(%dma_wait3A_54 : memref<80xi32, #tpu.memory_space<hbm>>) dst(%arg7 : memref<80xi32, #tpu.memory_space<vmem>>)
        tpu.yield
      }) : () -> ()
      "tpu.region"() ({
        %run_scoped3A = tpu.sem_alloc : memref<!tpu.dma_semaphore, #tpu.memory_space<semaphore_mem>>
        %dma_start3A = arith.constant 0 : i32
        %dma_start3A_45 = tpu.memref_slice %arg5[%add3A, %scan3A_32, %dma_start3A] : memref<32x50x80xi32, #tpu.memory_space<hbm>> -> memref<1x1x80xi32, #tpu.memory_space<hbm>>
        %dma_start3A_46 = tpu.memref_squeeze %dma_start3A_45 : memref<1x1x80xi32, #tpu.memory_space<hbm>> -> memref<80xi32, #tpu.memory_space<hbm>>
        %dma_start3A_47 = arith.constant 0 : i32
        %dma_start3A_48 = tpu.memref_slice %arg5[%add3A, %scan3A_32, %dma_start3A_47] : memref<32x50x80xi32, #tpu.memory_space<hbm>> -> memref<1x1x80xi32, #tpu.memory_space<hbm>>
        %dma_start3A_49 = tpu.memref_squeeze %dma_start3A_48 : memref<1x1x80xi32, #tpu.memory_space<hbm>> -> memref<80xi32, #tpu.memory_space<hbm>>
        tpu.enqueue_dma source(%dma_start3A_49 : memref<80xi32, #tpu.memory_space<hbm>>) target(%arg8 : memref<80xi32, #tpu.memory_space<vmem>>) target_semaphore(%run_scoped3A : memref<!tpu.dma_semaphore, #tpu.memory_space<semaphore_mem>>)
        %dma_wait3A = arith.constant 0 : i32
        %dma_wait3A_50 = tpu.memref_slice %arg5[%add3A, %scan3A_32, %dma_wait3A] : memref<32x50x80xi32, #tpu.memory_space<hbm>> -> memref<1x1x80xi32, #tpu.memory_space<hbm>>
        %dma_wait3A_51 = tpu.memref_squeeze %dma_wait3A_50 : memref<1x1x80xi32, #tpu.memory_space<hbm>> -> memref<80xi32, #tpu.memory_space<hbm>>
        %dma_wait3A_52 = arith.constant 0 : i32
        %dma_wait3A_53 = tpu.memref_slice %arg5[%add3A, %scan3A_32, %dma_wait3A_52] : memref<32x50x80xi32, #tpu.memory_space<hbm>> -> memref<1x1x80xi32, #tpu.memory_space<hbm>>
        %dma_wait3A_54 = tpu.memref_squeeze %dma_wait3A_53 : memref<1x1x80xi32, #tpu.memory_space<hbm>> -> memref<80xi32, #tpu.memory_space<hbm>>
        tpu.wait_dma2 semaphore(%run_scoped3A : memref<!tpu.dma_semaphore, #tpu.memory_space<semaphore_mem>>) src(%dma_wait3A_54 : memref<80xi32, #tpu.memory_space<hbm>>) dst(%arg8 : memref<80xi32, #tpu.memory_space<vmem>>)
        tpu.yield
      }) : () -> ()
      "tpu.region"() ({
        %run_scoped3A = tpu.sem_alloc : memref<!tpu.dma_semaphore, #tpu.memory_space<semaphore_mem>>
        %dma_start3A = arith.constant 0 : i32
        %dma_start3A_45 = arith.constant 0 : i32
        %dma_start3A_46 = tpu.memref_slice %arg2[%dma_start3A, %dma_start3A_45] : memref<10000x128xf32, #tpu.memory_space<hbm>> -> memref<10000x128xf32, #tpu.memory_space<hbm>>
        tpu.enqueue_indirect_dma source(%dma_start3A_46 : memref<10000x128xf32, #tpu.memory_space<hbm>>) target(%arg9 : memref<80x128xf32, #tpu.memory_space<vmem>>) offsets(%arg7 : memref<80xi32, #tpu.memory_space<vmem>>) semaphore(%run_scoped3A : memref<!tpu.dma_semaphore, #tpu.memory_space<semaphore_mem>>)
        %dma_wait3A = arith.constant 0 : i32
        %dma_wait3A_47 = arith.constant 0 : i32
        %dma_wait3A_48 = tpu.memref_slice %arg2[%dma_wait3A, %dma_wait3A_47] : memref<10000x128xf32, #tpu.memory_space<hbm>> -> memref<10000x128xf32, #tpu.memory_space<hbm>>
        tpu.wait_indirect_dma semaphore(%run_scoped3A : memref<!tpu.dma_semaphore, #tpu.memory_space<semaphore_mem>>) src(%dma_wait3A_48 : memref<10000x128xf32, #tpu.memory_space<hbm>>) dst(%arg9 : memref<80x128xf32, #tpu.memory_space<vmem>>)
        tpu.yield
      }) : () -> ()
      %mul3A_34 = arith.constant 80 : i32
      %mul3A_35 = arith.muli %scan3A_32, %mul3A_34 : i32
      %add3A_36 = arith.addi %mul3A_16, %mul3A_35 : i32
      "tpu.region"() ({
        %run_scoped3A = tpu.sem_alloc : memref<!tpu.dma_semaphore, #tpu.memory_space<semaphore_mem>>
        %dma_start3A = arith.constant 0 : i32
        %dma_start3A_45 = tpu.memref_slice %arg3[%add3A_36, %dma_start3A] : memref<128000x128xf32, #tpu.memory_space<hbm>> -> memref<80x128xf32, #tpu.memory_space<hbm>>
        %dma_start3A_46 = arith.constant 0 : i32
        %dma_start3A_47 = tpu.memref_slice %arg3[%add3A_36, %dma_start3A_46] : memref<128000x128xf32, #tpu.memory_space<hbm>> -> memref<80x128xf32, #tpu.memory_space<hbm>>
        tpu.enqueue_dma source(%dma_start3A_47 : memref<80x128xf32, #tpu.memory_space<hbm>>) target(%arg10 : memref<80x128xf32, #tpu.memory_space<vmem>>) target_semaphore(%run_scoped3A : memref<!tpu.dma_semaphore, #tpu.memory_space<semaphore_mem>>)
        %dma_wait3A = arith.constant 0 : i32
        %dma_wait3A_48 = tpu.memref_slice %arg3[%add3A_36, %dma_wait3A] : memref<128000x128xf32, #tpu.memory_space<hbm>> -> memref<80x128xf32, #tpu.memory_space<hbm>>
        %dma_wait3A_49 = arith.constant 0 : i32
        %dma_wait3A_50 = tpu.memref_slice %arg3[%add3A_36, %dma_wait3A_49] : memref<128000x128xf32, #tpu.memory_space<hbm>> -> memref<80x128xf32, #tpu.memory_space<hbm>>
        tpu.wait_dma2 semaphore(%run_scoped3A : memref<!tpu.dma_semaphore, #tpu.memory_space<semaphore_mem>>) src(%dma_wait3A_50 : memref<80x128xf32, #tpu.memory_space<hbm>>) dst(%arg10 : memref<80x128xf32, #tpu.memory_space<vmem>>)
        tpu.yield
      }) : () -> ()
      %scan3A_37 = arith.constant 0 : i32
      %scan3A_38 = arith.constant 0 : i32
      %scan3A_39 = arith.constant 80 : i32
      %scan3A_40 = arith.addi %scan3A_38, %scan3A_39 : i32
      %scan3A_41 = arith.constant 1 : i32
      %scan3A_42 = scf.for %scan3A_45 = %scan3A_38 to %scan3A_40 step %scan3A_41 iter_args(%scan3A_46 = %scan3A_37) -> (i32)  : i32 {
        %get3A = arith.index_cast %scan3A_45 : i32 to index
        %get3A_47 = arith.constant 0 : index
        %get3A_48 = tpu.vector_load %arg10[%get3A, %get3A_47] {strides = array<i32>} : memref<80x128xf32, #tpu.memory_space<vmem>>, vector<1x16xf32>,
        %get3A_49 = vector.shape_cast %get3A_48 : vector<1x16xf32> to vector<16xf32>
        %get3A_50 = arith.index_cast %scan3A_45 : i32 to index
        %get3A_51 = arith.constant 0 : index
        %get3A_52 = tpu.vector_load %arg9[%get3A_50, %get3A_51] {strides = array<i32>} : memref<80x128xf32, #tpu.memory_space<vmem>>, vector<1x16xf32>,
        %get3A_53 = vector.shape_cast %get3A_52 : vector<1x16xf32> to vector<16xf32>
        %mul3A_54 = arith.mulf %get3A_49, %get3A_53 : vector<16xf32>
        %swap3A = arith.index_cast %scan3A_45 : i32 to index
        %swap3A_55 = arith.constant 0 : index
        %swap3A_56 = tpu.vector_load %arg10[%swap3A, %swap3A_55] {strides = array<i32>} : memref<80x128xf32, #tpu.memory_space<vmem>>, vector<1x16xf32>,
        %swap3A_57 = vector.shape_cast %swap3A_56 : vector<1x16xf32> to vector<16xf32>
        %swap3A_58 = vector.shape_cast %mul3A_54 : vector<16xf32> to vector<1x16xf32>
        tpu.vector_store %arg10[%swap3A, %swap3A_55], %swap3A_58 {strides = array<i32>} : memref<80x128xf32, #tpu.memory_space<vmem>>, vector<1x16xf32>,
        %get3A_59 = arith.index_cast %scan3A_45 : i32 to index
        %get3A_60 = arith.constant 16 : index
        %get3A_61 = tpu.vector_load %arg10[%get3A_59, %get3A_60] {strides = array<i32>} : memref<80x128xf32, #tpu.memory_space<vmem>>, vector<1x16xf32>,
        %get3A_62 = vector.shape_cast %get3A_61 : vector<1x16xf32> to vector<16xf32>
        %get3A_63 = arith.index_cast %scan3A_45 : i32 to index
        %get3A_64 = arith.constant 16 : index
        %get3A_65 = tpu.vector_load %arg9[%get3A_63, %get3A_64] {strides = array<i32>} : memref<80x128xf32, #tpu.memory_space<vmem>>, vector<1x16xf32>,
        %get3A_66 = vector.shape_cast %get3A_65 : vector<1x16xf32> to vector<16xf32>
        %mul3A_67 = arith.mulf %get3A_62, %get3A_66 : vector<16xf32>
        %swap3A_68 = arith.index_cast %scan3A_45 : i32 to index
        %swap3A_69 = arith.constant 16 : index
        %swap3A_70 = tpu.vector_load %arg10[%swap3A_68, %swap3A_69] {strides = array<i32>} : memref<80x128xf32, #tpu.memory_space<vmem>>, vector<1x16xf32>,
        %swap3A_71 = vector.shape_cast %swap3A_70 : vector<1x16xf32> to vector<16xf32>
        %swap3A_72 = vector.shape_cast %mul3A_67 : vector<16xf32> to vector<1x16xf32>
        tpu.vector_store %arg10[%swap3A_68, %swap3A_69], %swap3A_72 {strides = array<i32>} : memref<80x128xf32, #tpu.memory_space<vmem>>, vector<1x16xf32>,
        %get3A_73 = arith.index_cast %scan3A_45 : i32 to index
        %get3A_74 = arith.constant 32 : index
        %get3A_75 = tpu.vector_load %arg10[%get3A_73, %get3A_74] {strides = array<i32>} : memref<80x128xf32, #tpu.memory_space<vmem>>, vector<1x16xf32>,
        %get3A_76 = vector.shape_cast %get3A_75 : vector<1x16xf32> to vector<16xf32>
        %get3A_77 = arith.index_cast %scan3A_45 : i32 to index
        %get3A_78 = arith.constant 32 : index
        %get3A_79 = tpu.vector_load %arg9[%get3A_77, %get3A_78] {strides = array<i32>} : memref<80x128xf32, #tpu.memory_space<vmem>>, vector<1x16xf32>,
        %get3A_80 = vector.shape_cast %get3A_79 : vector<1x16xf32> to vector<16xf32>
        %mul3A_81 = arith.mulf %get3A_76, %get3A_80 : vector<16xf32>
        %swap3A_82 = arith.index_cast %scan3A_45 : i32 to index
        %swap3A_83 = arith.constant 32 : index
        %swap3A_84 = tpu.vector_load %arg10[%swap3A_82, %swap3A_83] {strides = array<i32>} : memref<80x128xf32, #tpu.memory_space<vmem>>, vector<1x16xf32>,
        %swap3A_85 = vector.shape_cast %swap3A_84 : vector<1x16xf32> to vector<16xf32>
        %swap3A_86 = vector.shape_cast %mul3A_81 : vector<16xf32> to vector<1x16xf32>
        tpu.vector_store %arg10[%swap3A_82, %swap3A_83], %swap3A_86 {strides = array<i32>} : memref<80x128xf32, #tpu.memory_space<vmem>>, vector<1x16xf32>,
        %get3A_87 = arith.index_cast %scan3A_45 : i32 to index
        %get3A_88 = arith.constant 48 : index
        %get3A_89 = tpu.vector_load %arg10[%get3A_87, %get3A_88] {strides = array<i32>} : memref<80x128xf32, #tpu.memory_space<vmem>>, vector<1x16xf32>,
        %get3A_90 = vector.shape_cast %get3A_89 : vector<1x16xf32> to vector<16xf32>
        %get3A_91 = arith.index_cast %scan3A_45 : i32 to index
        %get3A_92 = arith.constant 48 : index
        %get3A_93 = tpu.vector_load %arg9[%get3A_91, %get3A_92] {strides = array<i32>} : memref<80x128xf32, #tpu.memory_space<vmem>>, vector<1x16xf32>,
        %get3A_94 = vector.shape_cast %get3A_93 : vector<1x16xf32> to vector<16xf32>
        %mul3A_95 = arith.mulf %get3A_90, %get3A_94 : vector<16xf32>
        %swap3A_96 = arith.index_cast %scan3A_45 : i32 to index
        %swap3A_97 = arith.constant 48 : index
        %swap3A_98 = tpu.vector_load %arg10[%swap3A_96, %swap3A_97] {strides = array<i32>} : memref<80x128xf32, #tpu.memory_space<vmem>>, vector<1x16xf32>,
        %swap3A_99 = vector.shape_cast %swap3A_98 : vector<1x16xf32> to vector<16xf32>
        %swap3A_100 = vector.shape_cast %mul3A_95 : vector<16xf32> to vector<1x16xf32>
        tpu.vector_store %arg10[%swap3A_96, %swap3A_97], %swap3A_100 {strides = array<i32>} : memref<80x128xf32, #tpu.memory_space<vmem>>, vector<1x16xf32>,
        %get3A_101 = arith.index_cast %scan3A_45 : i32 to index
        %get3A_102 = arith.constant 64 : index
        %get3A_103 = tpu.vector_load %arg10[%get3A_101, %get3A_102] {strides = array<i32>} : memref<80x128xf32, #tpu.memory_space<vmem>>, vector<1x16xf32>,
        %get3A_104 = vector.shape_cast %get3A_103 : vector<1x16xf32> to vector<16xf32>
        %get3A_105 = arith.index_cast %scan3A_45 : i32 to index
        %get3A_106 = arith.constant 64 : index
        %get3A_107 = tpu.vector_load %arg9[%get3A_105, %get3A_106] {strides = array<i32>} : memref<80x128xf32, #tpu.memory_space<vmem>>, vector<1x16xf32>,
        %get3A_108 = vector.shape_cast %get3A_107 : vector<1x16xf32> to vector<16xf32>
        %mul3A_109 = arith.mulf %get3A_104, %get3A_108 : vector<16xf32>
        %swap3A_110 = arith.index_cast %scan3A_45 : i32 to index
        %swap3A_111 = arith.constant 64 : index
        %swap3A_112 = tpu.vector_load %arg10[%swap3A_110, %swap3A_111] {strides = array<i32>} : memref<80x128xf32, #tpu.memory_space<vmem>>, vector<1x16xf32>,
        %swap3A_113 = vector.shape_cast %swap3A_112 : vector<1x16xf32> to vector<16xf32>
        %swap3A_114 = vector.shape_cast %mul3A_109 : vector<16xf32> to vector<1x16xf32>
        tpu.vector_store %arg10[%swap3A_110, %swap3A_111], %swap3A_114 {strides = array<i32>} : memref<80x128xf32, #tpu.memory_space<vmem>>, vector<1x16xf32>,
        %get3A_115 = arith.index_cast %scan3A_45 : i32 to index
        %get3A_116 = arith.constant 80 : index
        %get3A_117 = tpu.vector_load %arg10[%get3A_115, %get3A_116] {strides = array<i32>} : memref<80x128xf32, #tpu.memory_space<vmem>>, vector<1x16xf32>,
        %get3A_118 = vector.shape_cast %get3A_117 : vector<1x16xf32> to vector<16xf32>
        %get3A_119 = arith.index_cast %scan3A_45 : i32 to index
        %get3A_120 = arith.constant 80 : index
        %get3A_121 = tpu.vector_load %arg9[%get3A_119, %get3A_120] {strides = array<i32>} : memref<80x128xf32, #tpu.memory_space<vmem>>, vector<1x16xf32>,
        %get3A_122 = vector.shape_cast %get3A_121 : vector<1x16xf32> to vector<16xf32>
        %mul3A_123 = arith.mulf %get3A_118, %get3A_122 : vector<16xf32>
        %swap3A_124 = arith.index_cast %scan3A_45 : i32 to index
        %swap3A_125 = arith.constant 80 : index
        %swap3A_126 = tpu.vector_load %arg10[%swap3A_124, %swap3A_125] {strides = array<i32>} : memref<80x128xf32, #tpu.memory_space<vmem>>, vector<1x16xf32>,
        %swap3A_127 = vector.shape_cast %swap3A_126 : vector<1x16xf32> to vector<16xf32>
        %swap3A_128 = vector.shape_cast %mul3A_123 : vector<16xf32> to vector<1x16xf32>
        tpu.vector_store %arg10[%swap3A_124, %swap3A_125], %swap3A_128 {strides = array<i32>} : memref<80x128xf32, #tpu.memory_space<vmem>>, vector<1x16xf32>,
        %get3A_129 = arith.index_cast %scan3A_45 : i32 to index
        %get3A_130 = arith.constant 96 : index
        %get3A_131 = tpu.vector_load %arg10[%get3A_129, %get3A_130] {strides = array<i32>} : memref<80x128xf32, #tpu.memory_space<vmem>>, vector<1x16xf32>,
        %get3A_132 = vector.shape_cast %get3A_131 : vector<1x16xf32> to vector<16xf32>
        %get3A_133 = arith.index_cast %scan3A_45 : i32 to index
        %get3A_134 = arith.constant 96 : index
        %get3A_135 = tpu.vector_load %arg9[%get3A_133, %get3A_134] {strides = array<i32>} : memref<80x128xf32, #tpu.memory_space<vmem>>, vector<1x16xf32>,
        %get3A_136 = vector.shape_cast %get3A_135 : vector<1x16xf32> to vector<16xf32>
        %mul3A_137 = arith.mulf %get3A_132, %get3A_136 : vector<16xf32>
        %swap3A_138 = arith.index_cast %scan3A_45 : i32 to index
        %swap3A_139 = arith.constant 96 : index
        %swap3A_140 = tpu.vector_load %arg10[%swap3A_138, %swap3A_139] {strides = array<i32>} : memref<80x128xf32, #tpu.memory_space<vmem>>, vector<1x16xf32>,
        %swap3A_141 = vector.shape_cast %swap3A_140 : vector<1x16xf32> to vector<16xf32>
        %swap3A_142 = vector.shape_cast %mul3A_137 : vector<16xf32> to vector<1x16xf32>
        tpu.vector_store %arg10[%swap3A_138, %swap3A_139], %swap3A_142 {strides = array<i32>} : memref<80x128xf32, #tpu.memory_space<vmem>>, vector<1x16xf32>,
        %get3A_143 = arith.index_cast %scan3A_45 : i32 to index
        %get3A_144 = arith.constant 112 : index
        %get3A_145 = tpu.vector_load %arg10[%get3A_143, %get3A_144] {strides = array<i32>} : memref<80x128xf32, #tpu.memory_space<vmem>>, vector<1x16xf32>,
        %get3A_146 = vector.shape_cast %get3A_145 : vector<1x16xf32> to vector<16xf32>
        %get3A_147 = arith.index_cast %scan3A_45 : i32 to index
        %get3A_148 = arith.constant 112 : index
        %get3A_149 = tpu.vector_load %arg9[%get3A_147, %get3A_148] {strides = array<i32>} : memref<80x128xf32, #tpu.memory_space<vmem>>, vector<1x16xf32>,
        %get3A_150 = vector.shape_cast %get3A_149 : vector<1x16xf32> to vector<16xf32>
        %mul3A_151 = arith.mulf %get3A_146, %get3A_150 : vector<16xf32>
        %swap3A_152 = arith.index_cast %scan3A_45 : i32 to index
        %swap3A_153 = arith.constant 112 : index
        %swap3A_154 = tpu.vector_load %arg10[%swap3A_152, %swap3A_153] {strides = array<i32>} : memref<80x128xf32, #tpu.memory_space<vmem>>, vector<1x16xf32>,
        %swap3A_155 = vector.shape_cast %swap3A_154 : vector<1x16xf32> to vector<16xf32>
        %swap3A_156 = vector.shape_cast %mul3A_151 : vector<16xf32> to vector<1x16xf32>
        tpu.vector_store %arg10[%swap3A_152, %swap3A_153], %swap3A_156 {strides = array<i32>} : memref<80x128xf32, #tpu.memory_space<vmem>>, vector<1x16xf32>,
        %scan3A_157 = arith.constant 0 : i32
        scf.yield %scan3A_157 : i32
      }
      %scan3A_43 = arith.constant 80 : i32
      "tpu.region"() ({
        %run_scoped3A = tpu.sem_alloc : memref<!tpu.dma_semaphore, #tpu.memory_space<semaphore_mem>>
        %dma_start3A = arith.constant 0 : i32
        %dma_start3A_45 = arith.constant 0 : i32
        %dma_start3A_46 = tpu.memref_slice %arg12[%dma_start3A, %dma_start3A_45] : memref<10240x128xf32, #tpu.memory_space<vmem_shared>> -> memref<10240x128xf32, #tpu.memory_space<vmem_shared>>
        tpu.enqueue_indirect_dma source(%arg10 : memref<80x128xf32, #tpu.memory_space<vmem>>) target(%dma_start3A_46 : memref<10240x128xf32, #tpu.memory_space<vmem_shared>>) offsets(%arg8 : memref<80xi32, #tpu.memory_space<vmem>>) semaphore(%run_scoped3A : memref<!tpu.dma_semaphore, #tpu.memory_space<semaphore_mem>>) {add = true}
        %dma_wait3A = arith.constant 0 : i32
        %dma_wait3A_47 = arith.constant 0 : i32
        %dma_wait3A_48 = tpu.memref_slice %arg12[%dma_wait3A, %dma_wait3A_47] : memref<10240x128xf32, #tpu.memory_space<vmem_shared>> -> memref<10240x128xf32, #tpu.memory_space<vmem_shared>>
        tpu.wait_indirect_dma semaphore(%run_scoped3A : memref<!tpu.dma_semaphore, #tpu.memory_space<semaphore_mem>>) src(%arg10 : memref<80x128xf32, #tpu.memory_space<vmem>>) dst(%dma_wait3A_48 : memref<10240x128xf32, #tpu.memory_space<vmem_shared>>)
        tpu.yield
      }) : () -> ()
      %scan3A_44 = arith.constant 0 : i32
      scf.yield %scan3A_44 : i32
    }
    %scan3A_23 = arith.constant 50 : i32
    %barrier3A_24 = arith.constant 0 : index
    tpu.barrier barrier_id(%barrier3A_24)
    %scan3A_25 = arith.constant 0 : i32
    %scan3A_26 = arith.constant 0 : i32
    %scan3A_27 = arith.constant 40 : i32
    %scan3A_28 = arith.addi %scan3A_26, %scan3A_27 : i32
    %scan3A_29 = arith.constant 1 : i32
    %scan3A_30 = scf.for %scan3A_32 = %scan3A_26 to %scan3A_28 step %scan3A_29 iter_args(%scan3A_33 = %scan3A_25) -> (i32)  : i32 {
      %mul3A_34 = arith.constant 640 : i32
      %mul3A_35 = arith.muli %arg1, %mul3A_34 : i32
      %mul3A_36 = arith.constant 16 : i32
      %mul3A_37 = arith.muli %scan3A_32, %mul3A_36 : i32
      %add3A_38 = arith.addi %mul3A_35, %mul3A_37 : i32
      "tpu.region"() ({
        %run_scoped3A = tpu.sem_alloc : memref<!tpu.dma_semaphore, #tpu.memory_space<semaphore_mem>>
        %dma_start3A = arith.constant 0 : i32
        %dma_start3A_40 = tpu.memref_slice %arg12[%add3A_38, %dma_start3A] : memref<10240x128xf32, #tpu.memory_space<vmem_shared>> -> memref<16x128xf32, #tpu.memory_space<vmem_shared>>
        %dma_start3A_41 = arith.constant 0 : i32
        %dma_start3A_42 = tpu.memref_slice %arg12[%add3A_38, %dma_start3A_41] : memref<10240x128xf32, #tpu.memory_space<vmem_shared>> -> memref<16x128xf32, #tpu.memory_space<vmem_shared>>
        tpu.enqueue_dma source(%dma_start3A_42 : memref<16x128xf32, #tpu.memory_space<vmem_shared>>) target(%arg11 : memref<16x128xf32, #tpu.memory_space<vmem>>) target_semaphore(%run_scoped3A : memref<!tpu.dma_semaphore, #tpu.memory_space<semaphore_mem>>)
        %dma_wait3A = arith.constant 0 : i32
        %dma_wait3A_43 = tpu.memref_slice %arg12[%add3A_38, %dma_wait3A] : memref<10240x128xf32, #tpu.memory_space<vmem_shared>> -> memref<16x128xf32, #tpu.memory_space<vmem_shared>>
        %dma_wait3A_44 = arith.constant 0 : i32
        %dma_wait3A_45 = tpu.memref_slice %arg12[%add3A_38, %dma_wait3A_44] : memref<10240x128xf32, #tpu.memory_space<vmem_shared>> -> memref<16x128xf32, #tpu.memory_space<vmem_shared>>
        tpu.wait_dma2 semaphore(%run_scoped3A : memref<!tpu.dma_semaphore, #tpu.memory_space<semaphore_mem>>) src(%dma_wait3A_45 : memref<16x128xf32, #tpu.memory_space<vmem_shared>>) dst(%arg11 : memref<16x128xf32, #tpu.memory_space<vmem>>)
        tpu.yield
      }) : () -> ()
      "tpu.region"() ({
        %run_scoped3A = tpu.sem_alloc : memref<!tpu.dma_semaphore, #tpu.memory_space<semaphore_mem>>
        %dma_start3A = arith.constant 0 : i32
        %dma_start3A_40 = tpu.memref_slice %arg6[%arg0, %add3A_38, %dma_start3A] : memref<2x10240x128xf32, #tpu.memory_space<hbm>> -> memref<1x16x128xf32, #tpu.memory_space<hbm>>
        %dma_start3A_41 = tpu.memref_squeeze %dma_start3A_40 : memref<1x16x128xf32, #tpu.memory_space<hbm>> -> memref<16x128xf32, #tpu.memory_space<hbm>>
        %dma_start3A_42 = arith.constant 0 : i32
        %dma_start3A_43 = tpu.memref_slice %arg6[%arg0, %add3A_38, %dma_start3A_42] : memref<2x10240x128xf32, #tpu.memory_space<hbm>> -> memref<1x16x128xf32, #tpu.memory_space<hbm>>
        %dma_start3A_44 = tpu.memref_squeeze %dma_start3A_43 : memref<1x16x128xf32, #tpu.memory_space<hbm>> -> memref<16x128xf32, #tpu.memory_space<hbm>>
        tpu.enqueue_dma source(%arg11 : memref<16x128xf32, #tpu.memory_space<vmem>>) target(%dma_start3A_44 : memref<16x128xf32, #tpu.memory_space<hbm>>) target_semaphore(%run_scoped3A : memref<!tpu.dma_semaphore, #tpu.memory_space<semaphore_mem>>)
        %dma_wait3A = arith.constant 0 : i32
        %dma_wait3A_45 = tpu.memref_slice %arg6[%arg0, %add3A_38, %dma_wait3A] : memref<2x10240x128xf32, #tpu.memory_space<hbm>> -> memref<1x16x128xf32, #tpu.memory_space<hbm>>
        %dma_wait3A_46 = tpu.memref_squeeze %dma_wait3A_45 : memref<1x16x128xf32, #tpu.memory_space<hbm>> -> memref<16x128xf32, #tpu.memory_space<hbm>>
        %dma_wait3A_47 = arith.constant 0 : i32
        %dma_wait3A_48 = tpu.memref_slice %arg6[%arg0, %add3A_38, %dma_wait3A_47] : memref<2x10240x128xf32, #tpu.memory_space<hbm>> -> memref<1x16x128xf32, #tpu.memory_space<hbm>>
        %dma_wait3A_49 = tpu.memref_squeeze %dma_wait3A_48 : memref<1x16x128xf32, #tpu.memory_space<hbm>> -> memref<16x128xf32, #tpu.memory_space<hbm>>
        tpu.wait_dma2 semaphore(%run_scoped3A : memref<!tpu.dma_semaphore, #tpu.memory_space<semaphore_mem>>) src(%arg11 : memref<16x128xf32, #tpu.memory_space<vmem>>) dst(%dma_wait3A_49 : memref<16x128xf32, #tpu.memory_space<hbm>>)
        tpu.yield
      }) : () -> ()
      %scan3A_39 = arith.constant 0 : i32
      scf.yield %scan3A_39 : i32
    }
    %scan3A_31 = arith.constant 40 : i32
    return
  }
}

#map = affine_map<(d0, d1) -> (0, 0)>
#map1 = affine_map<(d0, d1) -> (0, 0, 0)>
module attributes {stable_mosaic.version = 14 : i64} {
  func.func @body(%arg0: i32, %arg1: i32, %arg2: memref<10000x128xf32, #tpu.memory_space<hbm>>, %arg3: memref<192000x128xf32, #tpu.memory_space<hbm>>, %arg4: memref<32x75x80xi32, #tpu.memory_space<hbm>>, %arg5: memref<32x75x80xi32, #tpu.memory_space<hbm>>, %arg6: memref<2x10240x128xf32, #tpu.memory_space<hbm>>, %arg7: memref<80xi32, #tpu.memory_space<vmem>>, %arg8: memref<80xi32, #tpu.memory_space<vmem>>, %arg9: memref<80x128xf32, #tpu.memory_space<vmem>>, %arg10: memref<80x128xf32, #tpu.memory_space<vmem>>, %arg11: memref<16x128xf32, #tpu.memory_space<vmem>>, %arg12: memref<10240x128xf32, #tpu.memory_space<vmem_shared>>) attributes {dimension_semantics = [#tpu.dimension_semantics<core_parallel>, #tpu.dimension_semantics<subcore_parallel>], iteration_bounds = array<i64: 2, 16>, scalar_prefetch = 0 : i64, scratch_operands = 6 : i64, tpu.core_type = #tpu.core_type<sc_vector_subcore>, window_params = [{transform_indices = #map}, {transform_indices = #map}, {transform_indices = #map1}, {transform_indices = #map1}, {transform_indices = #map1}]} {
    %mul3A = arith.constant 2 : i32
    %mul3A_0 = arith.muli %arg1, %mul3A : i32
    %add3A = arith.addi %mul3A_0, %arg0 : i32
    %broadcast_in_dim3A = arith.constant 0.000000e+00 : f32
    %broadcast_in_dim3A_1 = vector.broadcast %broadcast_in_dim3A : f32 to vector<16xf32>
    %scan3A = arith.constant 0 : i32
    %scan3A_2 = arith.constant 0 : i32
    %scan3A_3 = arith.constant 16 : i32
    %scan3A_4 = arith.addi %scan3A_2, %scan3A_3 : i32
    %scan3A_5 = arith.constant 1 : i32
    %scan3A_6 = scf.for %scan3A_32 = %scan3A_2 to %scan3A_4 step %scan3A_5 iter_args(%scan3A_33 = %scan3A) -> (i32)  : i32 {
      %swap3A = arith.index_cast %scan3A_32 : i32 to index
      %swap3A_34 = arith.constant 0 : index
      %swap3A_35 = tpu.vector_load %arg11[%swap3A, %swap3A_34] {strides = array<i32>} : memref<16x128xf32, #tpu.memory_space<vmem>>, vector<1x16xf32>,
      %swap3A_36 = vector.shape_cast %swap3A_35 : vector<1x16xf32> to vector<16xf32>
      %swap3A_37 = vector.shape_cast %broadcast_in_dim3A_1 : vector<16xf32> to vector<1x16xf32>
      tpu.vector_store %arg11[%swap3A, %swap3A_34], %swap3A_37 {strides = array<i32>} : memref<16x128xf32, #tpu.memory_space<vmem>>, vector<1x16xf32>,
      %swap3A_38 = arith.index_cast %scan3A_32 : i32 to index
      %swap3A_39 = arith.constant 16 : index
      %swap3A_40 = tpu.vector_load %arg11[%swap3A_38, %swap3A_39] {strides = array<i32>} : memref<16x128xf32, #tpu.memory_space<vmem>>, vector<1x16xf32>,
      %swap3A_41 = vector.shape_cast %swap3A_40 : vector<1x16xf32> to vector<16xf32>
      %swap3A_42 = vector.shape_cast %broadcast_in_dim3A_1 : vector<16xf32> to vector<1x16xf32>
      tpu.vector_store %arg11[%swap3A_38, %swap3A_39], %swap3A_42 {strides = array<i32>} : memref<16x128xf32, #tpu.memory_space<vmem>>, vector<1x16xf32>,
      %swap3A_43 = arith.index_cast %scan3A_32 : i32 to index
      %swap3A_44 = arith.constant 32 : index
      %swap3A_45 = tpu.vector_load %arg11[%swap3A_43, %swap3A_44] {strides = array<i32>} : memref<16x128xf32, #tpu.memory_space<vmem>>, vector<1x16xf32>,
      %swap3A_46 = vector.shape_cast %swap3A_45 : vector<1x16xf32> to vector<16xf32>
      %swap3A_47 = vector.shape_cast %broadcast_in_dim3A_1 : vector<16xf32> to vector<1x16xf32>
      tpu.vector_store %arg11[%swap3A_43, %swap3A_44], %swap3A_47 {strides = array<i32>} : memref<16x128xf32, #tpu.memory_space<vmem>>, vector<1x16xf32>,
      %swap3A_48 = arith.index_cast %scan3A_32 : i32 to index
      %swap3A_49 = arith.constant 48 : index
      %swap3A_50 = tpu.vector_load %arg11[%swap3A_48, %swap3A_49] {strides = array<i32>} : memref<16x128xf32, #tpu.memory_space<vmem>>, vector<1x16xf32>,
      %swap3A_51 = vector.shape_cast %swap3A_50 : vector<1x16xf32> to vector<16xf32>
      %swap3A_52 = vector.shape_cast %broadcast_in_dim3A_1 : vector<16xf32> to vector<1x16xf32>
      tpu.vector_store %arg11[%swap3A_48, %swap3A_49], %swap3A_52 {strides = array<i32>} : memref<16x128xf32, #tpu.memory_space<vmem>>, vector<1x16xf32>,
      %swap3A_53 = arith.index_cast %scan3A_32 : i32 to index
      %swap3A_54 = arith.constant 64 : index
      %swap3A_55 = tpu.vector_load %arg11[%swap3A_53, %swap3A_54] {strides = array<i32>} : memref<16x128xf32, #tpu.memory_space<vmem>>, vector<1x16xf32>,
      %swap3A_56 = vector.shape_cast %swap3A_55 : vector<1x16xf32> to vector<16xf32>
      %swap3A_57 = vector.shape_cast %broadcast_in_dim3A_1 : vector<16xf32> to vector<1x16xf32>
      tpu.vector_store %arg11[%swap3A_53, %swap3A_54], %swap3A_57 {strides = array<i32>} : memref<16x128xf32, #tpu.memory_space<vmem>>, vector<1x16xf32>,
      %swap3A_58 = arith.index_cast %scan3A_32 : i32 to index
      %swap3A_59 = arith.constant 80 : index
      %swap3A_60 = tpu.vector_load %arg11[%swap3A_58, %swap3A_59] {strides = array<i32>} : memref<16x128xf32, #tpu.memory_space<vmem>>, vector<1x16xf32>,
      %swap3A_61 = vector.shape_cast %swap3A_60 : vector<1x16xf32> to vector<16xf32>
      %swap3A_62 = vector.shape_cast %broadcast_in_dim3A_1 : vector<16xf32> to vector<1x16xf32>
      tpu.vector_store %arg11[%swap3A_58, %swap3A_59], %swap3A_62 {strides = array<i32>} : memref<16x128xf32, #tpu.memory_space<vmem>>, vector<1x16xf32>,
      %swap3A_63 = arith.index_cast %scan3A_32 : i32 to index
      %swap3A_64 = arith.constant 96 : index
      %swap3A_65 = tpu.vector_load %arg11[%swap3A_63, %swap3A_64] {strides = array<i32>} : memref<16x128xf32, #tpu.memory_space<vmem>>, vector<1x16xf32>,
      %swap3A_66 = vector.shape_cast %swap3A_65 : vector<1x16xf32> to vector<16xf32>
      %swap3A_67 = vector.shape_cast %broadcast_in_dim3A_1 : vector<16xf32> to vector<1x16xf32>
      tpu.vector_store %arg11[%swap3A_63, %swap3A_64], %swap3A_67 {strides = array<i32>} : memref<16x128xf32, #tpu.memory_space<vmem>>, vector<1x16xf32>,
      %swap3A_68 = arith.index_cast %scan3A_32 : i32 to index
      %swap3A_69 = arith.constant 112 : index
      %swap3A_70 = tpu.vector_load %arg11[%swap3A_68, %swap3A_69] {strides = array<i32>} : memref<16x128xf32, #tpu.memory_space<vmem>>, vector<1x16xf32>,
      %swap3A_71 = vector.shape_cast %swap3A_70 : vector<1x16xf32> to vector<16xf32>
      %swap3A_72 = vector.shape_cast %broadcast_in_dim3A_1 : vector<16xf32> to vector<1x16xf32>
      tpu.vector_store %arg11[%swap3A_68, %swap3A_69], %swap3A_72 {strides = array<i32>} : memref<16x128xf32, #tpu.memory_space<vmem>>, vector<1x16xf32>,
      %scan3A_73 = arith.constant 0 : i32
      scf.yield %scan3A_73 : i32
    }
    %scan3A_7 = arith.constant 16 : i32
    %scan3A_8 = arith.constant 0 : i32
    %scan3A_9 = arith.constant 0 : i32
    %scan3A_10 = arith.constant 40 : i32
    %scan3A_11 = arith.addi %scan3A_9, %scan3A_10 : i32
    %scan3A_12 = arith.constant 1 : i32
    %scan3A_13 = scf.for %scan3A_32 = %scan3A_9 to %scan3A_11 step %scan3A_12 iter_args(%scan3A_33 = %scan3A_8) -> (i32)  : i32 {
      %mul3A_34 = arith.constant 640 : i32
      %mul3A_35 = arith.muli %arg1, %mul3A_34 : i32
      %mul3A_36 = arith.constant 16 : i32
      %mul3A_37 = arith.muli %scan3A_32, %mul3A_36 : i32
      %add3A_38 = arith.addi %mul3A_35, %mul3A_37 : i32
      "tpu.region"() ({
        %run_scoped3A = tpu.sem_alloc : memref<!tpu.dma_semaphore, #tpu.memory_space<semaphore_mem>>
        %dma_start3A = arith.constant 0 : i32
        %dma_start3A_40 = tpu.memref_slice %arg12[%add3A_38, %dma_start3A] : memref<10240x128xf32, #tpu.memory_space<vmem_shared>> -> memref<16x128xf32, #tpu.memory_space<vmem_shared>>
        %dma_start3A_41 = arith.constant 0 : i32
        %dma_start3A_42 = tpu.memref_slice %arg12[%add3A_38, %dma_start3A_41] : memref<10240x128xf32, #tpu.memory_space<vmem_shared>> -> memref<16x128xf32, #tpu.memory_space<vmem_shared>>
        tpu.enqueue_dma source(%arg11 : memref<16x128xf32, #tpu.memory_space<vmem>>) target(%dma_start3A_42 : memref<16x128xf32, #tpu.memory_space<vmem_shared>>) target_semaphore(%run_scoped3A : memref<!tpu.dma_semaphore, #tpu.memory_space<semaphore_mem>>)
        %dma_wait3A = arith.constant 0 : i32
        %dma_wait3A_43 = tpu.memref_slice %arg12[%add3A_38, %dma_wait3A] : memref<10240x128xf32, #tpu.memory_space<vmem_shared>> -> memref<16x128xf32, #tpu.memory_space<vmem_shared>>
        %dma_wait3A_44 = arith.constant 0 : i32
        %dma_wait3A_45 = tpu.memref_slice %arg12[%add3A_38, %dma_wait3A_44] : memref<10240x128xf32, #tpu.memory_space<vmem_shared>> -> memref<16x128xf32, #tpu.memory_space<vmem_shared>>
        tpu.wait_dma2 semaphore(%run_scoped3A : memref<!tpu.dma_semaphore, #tpu.memory_space<semaphore_mem>>) src(%arg11 : memref<16x128xf32, #tpu.memory_space<vmem>>) dst(%dma_wait3A_45 : memref<16x128xf32, #tpu.memory_space<vmem_shared>>)
        tpu.yield
      }) : () -> ()
      %scan3A_39 = arith.constant 0 : i32
      scf.yield %scan3A_39 : i32
    }
    %scan3A_14 = arith.constant 40 : i32
    %barrier3A = arith.constant 0 : index
    tpu.barrier barrier_id(%barrier3A)
    %mul3A_15 = arith.constant 6000 : i32
    %mul3A_16 = arith.muli %add3A, %mul3A_15 : i32
    %scan3A_17 = arith.constant 0 : i32
    %scan3A_18 = arith.constant 0 : i32
    %scan3A_19 = arith.constant 75 : i32
    %scan3A_20 = arith.addi %scan3A_18, %scan3A_19 : i32
    %scan3A_21 = arith.constant 1 : i32
    %scan3A_22 = scf.for %scan3A_32 = %scan3A_18 to %scan3A_20 step %scan3A_21 iter_args(%scan3A_33 = %scan3A_17) -> (i32)  : i32 {
      "tpu.region"() ({
        %run_scoped3A = tpu.sem_alloc : memref<!tpu.dma_semaphore, #tpu.memory_space<semaphore_mem>>
        %dma_start3A = arith.constant 0 : i32
        %dma_start3A_45 = tpu.memref_slice %arg4[%add3A, %scan3A_32, %dma_start3A] : memref<32x75x80xi32, #tpu.memory_space<hbm>> -> memref<1x1x80xi32, #tpu.memory_space<hbm>>
        %dma_start3A_46 = tpu.memref_squeeze %dma_start3A_45 : memref<1x1x80xi32, #tpu.memory_space<hbm>> -> memref<80xi32, #tpu.memory_space<hbm>>
        %dma_start3A_47 = arith.constant 0 : i32
        %dma_start3A_48 = tpu.memref_slice %arg4[%add3A, %scan3A_32, %dma_start3A_47] : memref<32x75x80xi32, #tpu.memory_space<hbm>> -> memref<1x1x80xi32, #tpu.memory_space<hbm>>
        %dma_start3A_49 = tpu.memref_squeeze %dma_start3A_48 : memref<1x1x80xi32, #tpu.memory_space<hbm>> -> memref<80xi32, #tpu.memory_space<hbm>>
        tpu.enqueue_dma source(%dma_start3A_49 : memref<80xi32, #tpu.memory_space<hbm>>) target(%arg7 : memref<80xi32, #tpu.memory_space<vmem>>) target_semaphore(%run_scoped3A : memref<!tpu.dma_semaphore, #tpu.memory_space<semaphore_mem>>)
        %dma_wait3A = arith.constant 0 : i32
        %dma_wait3A_50 = tpu.memref_slice %arg4[%add3A, %scan3A_32, %dma_wait3A] : memref<32x75x80xi32, #tpu.memory_space<hbm>> -> memref<1x1x80xi32, #tpu.memory_space<hbm>>
        %dma_wait3A_51 = tpu.memref_squeeze %dma_wait3A_50 : memref<1x1x80xi32, #tpu.memory_space<hbm>> -> memref<80xi32, #tpu.memory_space<hbm>>
        %dma_wait3A_52 = arith.constant 0 : i32
        %dma_wait3A_53 = tpu.memref_slice %arg4[%add3A, %scan3A_32, %dma_wait3A_52] : memref<32x75x80xi32, #tpu.memory_space<hbm>> -> memref<1x1x80xi32, #tpu.memory_space<hbm>>
        %dma_wait3A_54 = tpu.memref_squeeze %dma_wait3A_53 : memref<1x1x80xi32, #tpu.memory_space<hbm>> -> memref<80xi32, #tpu.memory_space<hbm>>
        tpu.wait_dma2 semaphore(%run_scoped3A : memref<!tpu.dma_semaphore, #tpu.memory_space<semaphore_mem>>) src(%dma_wait3A_54 : memref<80xi32, #tpu.memory_space<hbm>>) dst(%arg7 : memref<80xi32, #tpu.memory_space<vmem>>)
        tpu.yield
      }) : () -> ()
      "tpu.region"() ({
        %run_scoped3A = tpu.sem_alloc : memref<!tpu.dma_semaphore, #tpu.memory_space<semaphore_mem>>
        %dma_start3A = arith.constant 0 : i32
        %dma_start3A_45 = tpu.memref_slice %arg5[%add3A, %scan3A_32, %dma_start3A] : memref<32x75x80xi32, #tpu.memory_space<hbm>> -> memref<1x1x80xi32, #tpu.memory_space<hbm>>
        %dma_start3A_46 = tpu.memref_squeeze %dma_start3A_45 : memref<1x1x80xi32, #tpu.memory_space<hbm>> -> memref<80xi32, #tpu.memory_space<hbm>>
        %dma_start3A_47 = arith.constant 0 : i32
        %dma_start3A_48 = tpu.memref_slice %arg5[%add3A, %scan3A_32, %dma_start3A_47] : memref<32x75x80xi32, #tpu.memory_space<hbm>> -> memref<1x1x80xi32, #tpu.memory_space<hbm>>
        %dma_start3A_49 = tpu.memref_squeeze %dma_start3A_48 : memref<1x1x80xi32, #tpu.memory_space<hbm>> -> memref<80xi32, #tpu.memory_space<hbm>>
        tpu.enqueue_dma source(%dma_start3A_49 : memref<80xi32, #tpu.memory_space<hbm>>) target(%arg8 : memref<80xi32, #tpu.memory_space<vmem>>) target_semaphore(%run_scoped3A : memref<!tpu.dma_semaphore, #tpu.memory_space<semaphore_mem>>)
        %dma_wait3A = arith.constant 0 : i32
        %dma_wait3A_50 = tpu.memref_slice %arg5[%add3A, %scan3A_32, %dma_wait3A] : memref<32x75x80xi32, #tpu.memory_space<hbm>> -> memref<1x1x80xi32, #tpu.memory_space<hbm>>
        %dma_wait3A_51 = tpu.memref_squeeze %dma_wait3A_50 : memref<1x1x80xi32, #tpu.memory_space<hbm>> -> memref<80xi32, #tpu.memory_space<hbm>>
        %dma_wait3A_52 = arith.constant 0 : i32
        %dma_wait3A_53 = tpu.memref_slice %arg5[%add3A, %scan3A_32, %dma_wait3A_52] : memref<32x75x80xi32, #tpu.memory_space<hbm>> -> memref<1x1x80xi32, #tpu.memory_space<hbm>>
        %dma_wait3A_54 = tpu.memref_squeeze %dma_wait3A_53 : memref<1x1x80xi32, #tpu.memory_space<hbm>> -> memref<80xi32, #tpu.memory_space<hbm>>
        tpu.wait_dma2 semaphore(%run_scoped3A : memref<!tpu.dma_semaphore, #tpu.memory_space<semaphore_mem>>) src(%dma_wait3A_54 : memref<80xi32, #tpu.memory_space<hbm>>) dst(%arg8 : memref<80xi32, #tpu.memory_space<vmem>>)
        tpu.yield
      }) : () -> ()
      "tpu.region"() ({
        %run_scoped3A = tpu.sem_alloc : memref<!tpu.dma_semaphore, #tpu.memory_space<semaphore_mem>>
        %dma_start3A = arith.constant 0 : i32
        %dma_start3A_45 = arith.constant 0 : i32
        %dma_start3A_46 = tpu.memref_slice %arg2[%dma_start3A, %dma_start3A_45] : memref<10000x128xf32, #tpu.memory_space<hbm>> -> memref<10000x128xf32, #tpu.memory_space<hbm>>
        tpu.enqueue_indirect_dma source(%dma_start3A_46 : memref<10000x128xf32, #tpu.memory_space<hbm>>) target(%arg9 : memref<80x128xf32, #tpu.memory_space<vmem>>) offsets(%arg7 : memref<80xi32, #tpu.memory_space<vmem>>) semaphore(%run_scoped3A : memref<!tpu.dma_semaphore, #tpu.memory_space<semaphore_mem>>)
        %dma_wait3A = arith.constant 0 : i32
        %dma_wait3A_47 = arith.constant 0 : i32
        %dma_wait3A_48 = tpu.memref_slice %arg2[%dma_wait3A, %dma_wait3A_47] : memref<10000x128xf32, #tpu.memory_space<hbm>> -> memref<10000x128xf32, #tpu.memory_space<hbm>>
        tpu.wait_indirect_dma semaphore(%run_scoped3A : memref<!tpu.dma_semaphore, #tpu.memory_space<semaphore_mem>>) src(%dma_wait3A_48 : memref<10000x128xf32, #tpu.memory_space<hbm>>) dst(%arg9 : memref<80x128xf32, #tpu.memory_space<vmem>>)
        tpu.yield
      }) : () -> ()
      %mul3A_34 = arith.constant 80 : i32
      %mul3A_35 = arith.muli %scan3A_32, %mul3A_34 : i32
      %add3A_36 = arith.addi %mul3A_16, %mul3A_35 : i32
      "tpu.region"() ({
        %run_scoped3A = tpu.sem_alloc : memref<!tpu.dma_semaphore, #tpu.memory_space<semaphore_mem>>
        %dma_start3A = arith.constant 0 : i32
        %dma_start3A_45 = tpu.memref_slice %arg3[%add3A_36, %dma_start3A] : memref<192000x128xf32, #tpu.memory_space<hbm>> -> memref<80x128xf32, #tpu.memory_space<hbm>>
        %dma_start3A_46 = arith.constant 0 : i32
        %dma_start3A_47 = tpu.memref_slice %arg3[%add3A_36, %dma_start3A_46] : memref<192000x128xf32, #tpu.memory_space<hbm>> -> memref<80x128xf32, #tpu.memory_space<hbm>>
        tpu.enqueue_dma source(%dma_start3A_47 : memref<80x128xf32, #tpu.memory_space<hbm>>) target(%arg10 : memref<80x128xf32, #tpu.memory_space<vmem>>) target_semaphore(%run_scoped3A : memref<!tpu.dma_semaphore, #tpu.memory_space<semaphore_mem>>)
        %dma_wait3A = arith.constant 0 : i32
        %dma_wait3A_48 = tpu.memref_slice %arg3[%add3A_36, %dma_wait3A] : memref<192000x128xf32, #tpu.memory_space<hbm>> -> memref<80x128xf32, #tpu.memory_space<hbm>>
        %dma_wait3A_49 = arith.constant 0 : i32
        %dma_wait3A_50 = tpu.memref_slice %arg3[%add3A_36, %dma_wait3A_49] : memref<192000x128xf32, #tpu.memory_space<hbm>> -> memref<80x128xf32, #tpu.memory_space<hbm>>
        tpu.wait_dma2 semaphore(%run_scoped3A : memref<!tpu.dma_semaphore, #tpu.memory_space<semaphore_mem>>) src(%dma_wait3A_50 : memref<80x128xf32, #tpu.memory_space<hbm>>) dst(%arg10 : memref<80x128xf32, #tpu.memory_space<vmem>>)
        tpu.yield
      }) : () -> ()
      %scan3A_37 = arith.constant 0 : i32
      %scan3A_38 = arith.constant 0 : i32
      %scan3A_39 = arith.constant 80 : i32
      %scan3A_40 = arith.addi %scan3A_38, %scan3A_39 : i32
      %scan3A_41 = arith.constant 1 : i32
      %scan3A_42 = scf.for %scan3A_45 = %scan3A_38 to %scan3A_40 step %scan3A_41 iter_args(%scan3A_46 = %scan3A_37) -> (i32)  : i32 {
        %get3A = arith.index_cast %scan3A_45 : i32 to index
        %get3A_47 = arith.constant 0 : index
        %get3A_48 = tpu.vector_load %arg10[%get3A, %get3A_47] {strides = array<i32>} : memref<80x128xf32, #tpu.memory_space<vmem>>, vector<1x16xf32>,
        %get3A_49 = vector.shape_cast %get3A_48 : vector<1x16xf32> to vector<16xf32>
        %get3A_50 = arith.index_cast %scan3A_45 : i32 to index
        %get3A_51 = arith.constant 0 : index
        %get3A_52 = tpu.vector_load %arg9[%get3A_50, %get3A_51] {strides = array<i32>} : memref<80x128xf32, #tpu.memory_space<vmem>>, vector<1x16xf32>,
        %get3A_53 = vector.shape_cast %get3A_52 : vector<1x16xf32> to vector<16xf32>
        %mul3A_54 = arith.mulf %get3A_49, %get3A_53 : vector<16xf32>
        %swap3A = arith.index_cast %scan3A_45 : i32 to index
        %swap3A_55 = arith.constant 0 : index
        %swap3A_56 = tpu.vector_load %arg10[%swap3A, %swap3A_55] {strides = array<i32>} : memref<80x128xf32, #tpu.memory_space<vmem>>, vector<1x16xf32>,
        %swap3A_57 = vector.shape_cast %swap3A_56 : vector<1x16xf32> to vector<16xf32>
        %swap3A_58 = vector.shape_cast %mul3A_54 : vector<16xf32> to vector<1x16xf32>
        tpu.vector_store %arg10[%swap3A, %swap3A_55], %swap3A_58 {strides = array<i32>} : memref<80x128xf32, #tpu.memory_space<vmem>>, vector<1x16xf32>,
        %get3A_59 = arith.index_cast %scan3A_45 : i32 to index
        %get3A_60 = arith.constant 16 : index
        %get3A_61 = tpu.vector_load %arg10[%get3A_59, %get3A_60] {strides = array<i32>} : memref<80x128xf32, #tpu.memory_space<vmem>>, vector<1x16xf32>,
        %get3A_62 = vector.shape_cast %get3A_61 : vector<1x16xf32> to vector<16xf32>
        %get3A_63 = arith.index_cast %scan3A_45 : i32 to index
        %get3A_64 = arith.constant 16 : index
        %get3A_65 = tpu.vector_load %arg9[%get3A_63, %get3A_64] {strides = array<i32>} : memref<80x128xf32, #tpu.memory_space<vmem>>, vector<1x16xf32>,
        %get3A_66 = vector.shape_cast %get3A_65 : vector<1x16xf32> to vector<16xf32>
        %mul3A_67 = arith.mulf %get3A_62, %get3A_66 : vector<16xf32>
        %swap3A_68 = arith.index_cast %scan3A_45 : i32 to index
        %swap3A_69 = arith.constant 16 : index
        %swap3A_70 = tpu.vector_load %arg10[%swap3A_68, %swap3A_69] {strides = array<i32>} : memref<80x128xf32, #tpu.memory_space<vmem>>, vector<1x16xf32>,
        %swap3A_71 = vector.shape_cast %swap3A_70 : vector<1x16xf32> to vector<16xf32>
        %swap3A_72 = vector.shape_cast %mul3A_67 : vector<16xf32> to vector<1x16xf32>
        tpu.vector_store %arg10[%swap3A_68, %swap3A_69], %swap3A_72 {strides = array<i32>} : memref<80x128xf32, #tpu.memory_space<vmem>>, vector<1x16xf32>,
        %get3A_73 = arith.index_cast %scan3A_45 : i32 to index
        %get3A_74 = arith.constant 32 : index
        %get3A_75 = tpu.vector_load %arg10[%get3A_73, %get3A_74] {strides = array<i32>} : memref<80x128xf32, #tpu.memory_space<vmem>>, vector<1x16xf32>,
        %get3A_76 = vector.shape_cast %get3A_75 : vector<1x16xf32> to vector<16xf32>
        %get3A_77 = arith.index_cast %scan3A_45 : i32 to index
        %get3A_78 = arith.constant 32 : index
        %get3A_79 = tpu.vector_load %arg9[%get3A_77, %get3A_78] {strides = array<i32>} : memref<80x128xf32, #tpu.memory_space<vmem>>, vector<1x16xf32>,
        %get3A_80 = vector.shape_cast %get3A_79 : vector<1x16xf32> to vector<16xf32>
        %mul3A_81 = arith.mulf %get3A_76, %get3A_80 : vector<16xf32>
        %swap3A_82 = arith.index_cast %scan3A_45 : i32 to index
        %swap3A_83 = arith.constant 32 : index
        %swap3A_84 = tpu.vector_load %arg10[%swap3A_82, %swap3A_83] {strides = array<i32>} : memref<80x128xf32, #tpu.memory_space<vmem>>, vector<1x16xf32>,
        %swap3A_85 = vector.shape_cast %swap3A_84 : vector<1x16xf32> to vector<16xf32>
        %swap3A_86 = vector.shape_cast %mul3A_81 : vector<16xf32> to vector<1x16xf32>
        tpu.vector_store %arg10[%swap3A_82, %swap3A_83], %swap3A_86 {strides = array<i32>} : memref<80x128xf32, #tpu.memory_space<vmem>>, vector<1x16xf32>,
        %get3A_87 = arith.index_cast %scan3A_45 : i32 to index
        %get3A_88 = arith.constant 48 : index
        %get3A_89 = tpu.vector_load %arg10[%get3A_87, %get3A_88] {strides = array<i32>} : memref<80x128xf32, #tpu.memory_space<vmem>>, vector<1x16xf32>,
        %get3A_90 = vector.shape_cast %get3A_89 : vector<1x16xf32> to vector<16xf32>
        %get3A_91 = arith.index_cast %scan3A_45 : i32 to index
        %get3A_92 = arith.constant 48 : index
        %get3A_93 = tpu.vector_load %arg9[%get3A_91, %get3A_92] {strides = array<i32>} : memref<80x128xf32, #tpu.memory_space<vmem>>, vector<1x16xf32>,
        %get3A_94 = vector.shape_cast %get3A_93 : vector<1x16xf32> to vector<16xf32>
        %mul3A_95 = arith.mulf %get3A_90, %get3A_94 : vector<16xf32>
        %swap3A_96 = arith.index_cast %scan3A_45 : i32 to index
        %swap3A_97 = arith.constant 48 : index
        %swap3A_98 = tpu.vector_load %arg10[%swap3A_96, %swap3A_97] {strides = array<i32>} : memref<80x128xf32, #tpu.memory_space<vmem>>, vector<1x16xf32>,
        %swap3A_99 = vector.shape_cast %swap3A_98 : vector<1x16xf32> to vector<16xf32>
        %swap3A_100 = vector.shape_cast %mul3A_95 : vector<16xf32> to vector<1x16xf32>
        tpu.vector_store %arg10[%swap3A_96, %swap3A_97], %swap3A_100 {strides = array<i32>} : memref<80x128xf32, #tpu.memory_space<vmem>>, vector<1x16xf32>,
        %get3A_101 = arith.index_cast %scan3A_45 : i32 to index
        %get3A_102 = arith.constant 64 : index
        %get3A_103 = tpu.vector_load %arg10[%get3A_101, %get3A_102] {strides = array<i32>} : memref<80x128xf32, #tpu.memory_space<vmem>>, vector<1x16xf32>,
        %get3A_104 = vector.shape_cast %get3A_103 : vector<1x16xf32> to vector<16xf32>
        %get3A_105 = arith.index_cast %scan3A_45 : i32 to index
        %get3A_106 = arith.constant 64 : index
        %get3A_107 = tpu.vector_load %arg9[%get3A_105, %get3A_106] {strides = array<i32>} : memref<80x128xf32, #tpu.memory_space<vmem>>, vector<1x16xf32>,
        %get3A_108 = vector.shape_cast %get3A_107 : vector<1x16xf32> to vector<16xf32>
        %mul3A_109 = arith.mulf %get3A_104, %get3A_108 : vector<16xf32>
        %swap3A_110 = arith.index_cast %scan3A_45 : i32 to index
        %swap3A_111 = arith.constant 64 : index
        %swap3A_112 = tpu.vector_load %arg10[%swap3A_110, %swap3A_111] {strides = array<i32>} : memref<80x128xf32, #tpu.memory_space<vmem>>, vector<1x16xf32>,
        %swap3A_113 = vector.shape_cast %swap3A_112 : vector<1x16xf32> to vector<16xf32>
        %swap3A_114 = vector.shape_cast %mul3A_109 : vector<16xf32> to vector<1x16xf32>
        tpu.vector_store %arg10[%swap3A_110, %swap3A_111], %swap3A_114 {strides = array<i32>} : memref<80x128xf32, #tpu.memory_space<vmem>>, vector<1x16xf32>,
        %get3A_115 = arith.index_cast %scan3A_45 : i32 to index
        %get3A_116 = arith.constant 80 : index
        %get3A_117 = tpu.vector_load %arg10[%get3A_115, %get3A_116] {strides = array<i32>} : memref<80x128xf32, #tpu.memory_space<vmem>>, vector<1x16xf32>,
        %get3A_118 = vector.shape_cast %get3A_117 : vector<1x16xf32> to vector<16xf32>
        %get3A_119 = arith.index_cast %scan3A_45 : i32 to index
        %get3A_120 = arith.constant 80 : index
        %get3A_121 = tpu.vector_load %arg9[%get3A_119, %get3A_120] {strides = array<i32>} : memref<80x128xf32, #tpu.memory_space<vmem>>, vector<1x16xf32>,
        %get3A_122 = vector.shape_cast %get3A_121 : vector<1x16xf32> to vector<16xf32>
        %mul3A_123 = arith.mulf %get3A_118, %get3A_122 : vector<16xf32>
        %swap3A_124 = arith.index_cast %scan3A_45 : i32 to index
        %swap3A_125 = arith.constant 80 : index
        %swap3A_126 = tpu.vector_load %arg10[%swap3A_124, %swap3A_125] {strides = array<i32>} : memref<80x128xf32, #tpu.memory_space<vmem>>, vector<1x16xf32>,
        %swap3A_127 = vector.shape_cast %swap3A_126 : vector<1x16xf32> to vector<16xf32>
        %swap3A_128 = vector.shape_cast %mul3A_123 : vector<16xf32> to vector<1x16xf32>
        tpu.vector_store %arg10[%swap3A_124, %swap3A_125], %swap3A_128 {strides = array<i32>} : memref<80x128xf32, #tpu.memory_space<vmem>>, vector<1x16xf32>,
        %get3A_129 = arith.index_cast %scan3A_45 : i32 to index
        %get3A_130 = arith.constant 96 : index
        %get3A_131 = tpu.vector_load %arg10[%get3A_129, %get3A_130] {strides = array<i32>} : memref<80x128xf32, #tpu.memory_space<vmem>>, vector<1x16xf32>,
        %get3A_132 = vector.shape_cast %get3A_131 : vector<1x16xf32> to vector<16xf32>
        %get3A_133 = arith.index_cast %scan3A_45 : i32 to index
        %get3A_134 = arith.constant 96 : index
        %get3A_135 = tpu.vector_load %arg9[%get3A_133, %get3A_134] {strides = array<i32>} : memref<80x128xf32, #tpu.memory_space<vmem>>, vector<1x16xf32>,
        %get3A_136 = vector.shape_cast %get3A_135 : vector<1x16xf32> to vector<16xf32>
        %mul3A_137 = arith.mulf %get3A_132, %get3A_136 : vector<16xf32>
        %swap3A_138 = arith.index_cast %scan3A_45 : i32 to index
        %swap3A_139 = arith.constant 96 : index
        %swap3A_140 = tpu.vector_load %arg10[%swap3A_138, %swap3A_139] {strides = array<i32>} : memref<80x128xf32, #tpu.memory_space<vmem>>, vector<1x16xf32>,
        %swap3A_141 = vector.shape_cast %swap3A_140 : vector<1x16xf32> to vector<16xf32>
        %swap3A_142 = vector.shape_cast %mul3A_137 : vector<16xf32> to vector<1x16xf32>
        tpu.vector_store %arg10[%swap3A_138, %swap3A_139], %swap3A_142 {strides = array<i32>} : memref<80x128xf32, #tpu.memory_space<vmem>>, vector<1x16xf32>,
        %get3A_143 = arith.index_cast %scan3A_45 : i32 to index
        %get3A_144 = arith.constant 112 : index
        %get3A_145 = tpu.vector_load %arg10[%get3A_143, %get3A_144] {strides = array<i32>} : memref<80x128xf32, #tpu.memory_space<vmem>>, vector<1x16xf32>,
        %get3A_146 = vector.shape_cast %get3A_145 : vector<1x16xf32> to vector<16xf32>
        %get3A_147 = arith.index_cast %scan3A_45 : i32 to index
        %get3A_148 = arith.constant 112 : index
        %get3A_149 = tpu.vector_load %arg9[%get3A_147, %get3A_148] {strides = array<i32>} : memref<80x128xf32, #tpu.memory_space<vmem>>, vector<1x16xf32>,
        %get3A_150 = vector.shape_cast %get3A_149 : vector<1x16xf32> to vector<16xf32>
        %mul3A_151 = arith.mulf %get3A_146, %get3A_150 : vector<16xf32>
        %swap3A_152 = arith.index_cast %scan3A_45 : i32 to index
        %swap3A_153 = arith.constant 112 : index
        %swap3A_154 = tpu.vector_load %arg10[%swap3A_152, %swap3A_153] {strides = array<i32>} : memref<80x128xf32, #tpu.memory_space<vmem>>, vector<1x16xf32>,
        %swap3A_155 = vector.shape_cast %swap3A_154 : vector<1x16xf32> to vector<16xf32>
        %swap3A_156 = vector.shape_cast %mul3A_151 : vector<16xf32> to vector<1x16xf32>
        tpu.vector_store %arg10[%swap3A_152, %swap3A_153], %swap3A_156 {strides = array<i32>} : memref<80x128xf32, #tpu.memory_space<vmem>>, vector<1x16xf32>,
        %scan3A_157 = arith.constant 0 : i32
        scf.yield %scan3A_157 : i32
      }
      %scan3A_43 = arith.constant 80 : i32
      "tpu.region"() ({
        %run_scoped3A = tpu.sem_alloc : memref<!tpu.dma_semaphore, #tpu.memory_space<semaphore_mem>>
        %dma_start3A = arith.constant 0 : i32
        %dma_start3A_45 = arith.constant 0 : i32
        %dma_start3A_46 = tpu.memref_slice %arg12[%dma_start3A, %dma_start3A_45] : memref<10240x128xf32, #tpu.memory_space<vmem_shared>> -> memref<10240x128xf32, #tpu.memory_space<vmem_shared>>
        tpu.enqueue_indirect_dma source(%arg10 : memref<80x128xf32, #tpu.memory_space<vmem>>) target(%dma_start3A_46 : memref<10240x128xf32, #tpu.memory_space<vmem_shared>>) offsets(%arg8 : memref<80xi32, #tpu.memory_space<vmem>>) semaphore(%run_scoped3A : memref<!tpu.dma_semaphore, #tpu.memory_space<semaphore_mem>>) {add = true}
        %dma_wait3A = arith.constant 0 : i32
        %dma_wait3A_47 = arith.constant 0 : i32
        %dma_wait3A_48 = tpu.memref_slice %arg12[%dma_wait3A, %dma_wait3A_47] : memref<10240x128xf32, #tpu.memory_space<vmem_shared>> -> memref<10240x128xf32, #tpu.memory_space<vmem_shared>>
        tpu.wait_indirect_dma semaphore(%run_scoped3A : memref<!tpu.dma_semaphore, #tpu.memory_space<semaphore_mem>>) src(%arg10 : memref<80x128xf32, #tpu.memory_space<vmem>>) dst(%dma_wait3A_48 : memref<10240x128xf32, #tpu.memory_space<vmem_shared>>)
        tpu.yield
      }) : () -> ()
      %scan3A_44 = arith.constant 0 : i32
      scf.yield %scan3A_44 : i32
    }
    %scan3A_23 = arith.constant 75 : i32
    %barrier3A_24 = arith.constant 0 : index
    tpu.barrier barrier_id(%barrier3A_24)
    %scan3A_25 = arith.constant 0 : i32
    %scan3A_26 = arith.constant 0 : i32
    %scan3A_27 = arith.constant 40 : i32
    %scan3A_28 = arith.addi %scan3A_26, %scan3A_27 : i32
    %scan3A_29 = arith.constant 1 : i32
    %scan3A_30 = scf.for %scan3A_32 = %scan3A_26 to %scan3A_28 step %scan3A_29 iter_args(%scan3A_33 = %scan3A_25) -> (i32)  : i32 {
      %mul3A_34 = arith.constant 640 : i32
      %mul3A_35 = arith.muli %arg1, %mul3A_34 : i32
      %mul3A_36 = arith.constant 16 : i32
      %mul3A_37 = arith.muli %scan3A_32, %mul3A_36 : i32
      %add3A_38 = arith.addi %mul3A_35, %mul3A_37 : i32
      "tpu.region"() ({
        %run_scoped3A = tpu.sem_alloc : memref<!tpu.dma_semaphore, #tpu.memory_space<semaphore_mem>>
        %dma_start3A = arith.constant 0 : i32
        %dma_start3A_40 = tpu.memref_slice %arg12[%add3A_38, %dma_start3A] : memref<10240x128xf32, #tpu.memory_space<vmem_shared>> -> memref<16x128xf32, #tpu.memory_space<vmem_shared>>
        %dma_start3A_41 = arith.constant 0 : i32
        %dma_start3A_42 = tpu.memref_slice %arg12[%add3A_38, %dma_start3A_41] : memref<10240x128xf32, #tpu.memory_space<vmem_shared>> -> memref<16x128xf32, #tpu.memory_space<vmem_shared>>
        tpu.enqueue_dma source(%dma_start3A_42 : memref<16x128xf32, #tpu.memory_space<vmem_shared>>) target(%arg11 : memref<16x128xf32, #tpu.memory_space<vmem>>) target_semaphore(%run_scoped3A : memref<!tpu.dma_semaphore, #tpu.memory_space<semaphore_mem>>)
        %dma_wait3A = arith.constant 0 : i32
        %dma_wait3A_43 = tpu.memref_slice %arg12[%add3A_38, %dma_wait3A] : memref<10240x128xf32, #tpu.memory_space<vmem_shared>> -> memref<16x128xf32, #tpu.memory_space<vmem_shared>>
        %dma_wait3A_44 = arith.constant 0 : i32
        %dma_wait3A_45 = tpu.memref_slice %arg12[%add3A_38, %dma_wait3A_44] : memref<10240x128xf32, #tpu.memory_space<vmem_shared>> -> memref<16x128xf32, #tpu.memory_space<vmem_shared>>
        tpu.wait_dma2 semaphore(%run_scoped3A : memref<!tpu.dma_semaphore, #tpu.memory_space<semaphore_mem>>) src(%dma_wait3A_45 : memref<16x128xf32, #tpu.memory_space<vmem_shared>>) dst(%arg11 : memref<16x128xf32, #tpu.memory_space<vmem>>)
        tpu.yield
      }) : () -> ()
      "tpu.region"() ({
        %run_scoped3A = tpu.sem_alloc : memref<!tpu.dma_semaphore, #tpu.memory_space<semaphore_mem>>
        %dma_start3A = arith.constant 0 : i32
        %dma_start3A_40 = tpu.memref_slice %arg6[%arg0, %add3A_38, %dma_start3A] : memref<2x10240x128xf32, #tpu.memory_space<hbm>> -> memref<1x16x128xf32, #tpu.memory_space<hbm>>
        %dma_start3A_41 = tpu.memref_squeeze %dma_start3A_40 : memref<1x16x128xf32, #tpu.memory_space<hbm>> -> memref<16x128xf32, #tpu.memory_space<hbm>>
        %dma_start3A_42 = arith.constant 0 : i32
        %dma_start3A_43 = tpu.memref_slice %arg6[%arg0, %add3A_38, %dma_start3A_42] : memref<2x10240x128xf32, #tpu.memory_space<hbm>> -> memref<1x16x128xf32, #tpu.memory_space<hbm>>
        %dma_start3A_44 = tpu.memref_squeeze %dma_start3A_43 : memref<1x16x128xf32, #tpu.memory_space<hbm>> -> memref<16x128xf32, #tpu.memory_space<hbm>>
        tpu.enqueue_dma source(%arg11 : memref<16x128xf32, #tpu.memory_space<vmem>>) target(%dma_start3A_44 : memref<16x128xf32, #tpu.memory_space<hbm>>) target_semaphore(%run_scoped3A : memref<!tpu.dma_semaphore, #tpu.memory_space<semaphore_mem>>)
        %dma_wait3A = arith.constant 0 : i32
        %dma_wait3A_45 = tpu.memref_slice %arg6[%arg0, %add3A_38, %dma_wait3A] : memref<2x10240x128xf32, #tpu.memory_space<hbm>> -> memref<1x16x128xf32, #tpu.memory_space<hbm>>
        %dma_wait3A_46 = tpu.memref_squeeze %dma_wait3A_45 : memref<1x16x128xf32, #tpu.memory_space<hbm>> -> memref<16x128xf32, #tpu.memory_space<hbm>>
        %dma_wait3A_47 = arith.constant 0 : i32
        %dma_wait3A_48 = tpu.memref_slice %arg6[%arg0, %add3A_38, %dma_wait3A_47] : memref<2x10240x128xf32, #tpu.memory_space<hbm>> -> memref<1x16x128xf32, #tpu.memory_space<hbm>>
        %dma_wait3A_49 = tpu.memref_squeeze %dma_wait3A_48 : memref<1x16x128xf32, #tpu.memory_space<hbm>> -> memref<16x128xf32, #tpu.memory_space<hbm>>
        tpu.wait_dma2 semaphore(%run_scoped3A : memref<!tpu.dma_semaphore, #tpu.memory_space<semaphore_mem>>) src(%arg11 : memref<16x128xf32, #tpu.memory_space<vmem>>) dst(%dma_wait3A_49 : memref<16x128xf32, #tpu.memory_space<hbm>>)
        tpu.yield
      }) : () -> ()
      %scan3A_39 = arith.constant 0 : i32
      scf.yield %scan3A_39 : i32
    }
    %scan3A_31 = arith.constant 40 : i32
    return
  }
}

module attributes {stable_mosaic.version = 14 : i64} {
  func.func @_h_body(%arg0: memref<10000x128xf32, #tpu.memory_space<vmem>>, %arg1: memref<128x128xf32, #tpu.memory_space<vmem>>, %arg2: memref<10000x128xf32, #tpu.memory_space<vmem>>) attributes {dimension_semantics = [], scalar_prefetch = 0 : i64, scratch_operands = 0 : i64, tpu.core_type = #tpu.core_type<tc>} {
    %get3A = arith.constant 0 : index
    %get3A_0 = arith.constant 0 : index
    %get3A_1 = vector.load %arg0[%get3A, %get3A_0] : memref<10000x128xf32, #tpu.memory_space<vmem>>, vector<10000x128xf32>
    %get3A_2 = arith.constant 0 : index
    %get3A_3 = arith.constant 0 : index
    %get3A_4 = vector.load %arg1[%get3A_2, %get3A_3] : memref<128x128xf32, #tpu.memory_space<vmem>>, vector<128x128xf32>
    %dot_general3A = arith.constant dense<0.000000e+00> : vector<10000x128xf32>
    %dot_general3A_5 = tpu.matmul %get3A_1, %get3A_4, %dot_general3A {dimension_numbers = #tpu.dot_dimension_numbers<[1], [1], [0], [0], [0, 0, 1, 0], [], []>, transpose_lhs_hint = false} : vector<10000x128xf32>, vector<128x128xf32>, vector<10000x128xf32> -> vector<10000x128xf32>
    %swap3A = arith.constant 0 : index
    %swap3A_6 = arith.constant 0 : index
    %swap3A_7 = vector.load %arg2[%swap3A, %swap3A_6] : memref<10000x128xf32, #tpu.memory_space<vmem>>, vector<10000x128xf32>
    tpu.vector_store %arg2[%swap3A, %swap3A_6], %dot_general3A_5 {strides = array<i32>} : memref<10000x128xf32, #tpu.memory_space<vmem>>, vector<10000x128xf32>,
    return
  }
}

module attributes {stable_mosaic.version = 14 : i64} {
  func.func @_w_body(%arg0: i32, %arg1: memref<16x3200xf32, #tpu.memory_space<vmem>>, %arg2: memref<1x3200xf32, #tpu.memory_space<vmem>>, %arg3: memref<128x16xf32, #tpu.memory_space<vmem>>, %arg4: memref<1x128xf32, #tpu.memory_space<vmem>>, %arg5: memref<128x128xf32, #tpu.memory_space<vmem>>, %arg6: memref<1x128xf32, #tpu.memory_space<vmem>>, %arg7: memref<3200x128xf32, #tpu.memory_space<vmem>>) attributes {dimension_semantics = [#tpu.dimension_semantics<arbitrary>], iteration_bounds = array<i64: 60>, scalar_prefetch = 0 : i64, scratch_operands = 0 : i64, tpu.core_type = #tpu.core_type<tc>, window_params = [{transform_indices = @transform_0, window_bounds = array<i64: 16, 3200>}, {transform_indices = @transform_1, window_bounds = array<i64: 1, 3200>}, {pipeline_mode = #tpu.pipeline_mode<synchronous>, transform_indices = @transform_2, window_bounds = array<i64: 128, 16>}, {pipeline_mode = #tpu.pipeline_mode<synchronous>, transform_indices = @transform_3, window_bounds = array<i64: 1, 128>}, {pipeline_mode = #tpu.pipeline_mode<synchronous>, transform_indices = @transform_4, window_bounds = array<i64: 128, 128>}, {pipeline_mode = #tpu.pipeline_mode<synchronous>, transform_indices = @transform_5, window_bounds = array<i64: 1, 128>}, {transform_indices = @transform_6, window_bounds = array<i64: 3200, 128>}]} {
    %get3A = arith.constant 0 : index
    %get3A_0 = arith.constant 0 : index
    %get3A_1 = vector.load %arg1[%get3A, %get3A_0] : memref<16x3200xf32, #tpu.memory_space<vmem>>, vector<16x3200xf32>
    %get3A_2 = arith.constant 0 : index
    %get3A_3 = arith.constant 0 : index
    %get3A_4 = vector.load %arg3[%get3A_2, %get3A_3] : memref<128x16xf32, #tpu.memory_space<vmem>>, vector<128x16xf32>
    %dot_general3A = arith.constant dense<0.000000e+00> : vector<3200x128xf32>
    %dot_general3A_5 = tpu.matmul %get3A_1, %get3A_4, %dot_general3A {dimension_numbers = #tpu.dot_dimension_numbers<[0], [1], [1], [0], [0, 1, 1, 0], [], []>, transpose_lhs_hint = false} : vector<16x3200xf32>, vector<128x16xf32>, vector<3200x128xf32> -> vector<3200x128xf32>
    %get3A_6 = arith.constant 0 : index
    %get3A_7 = arith.constant 0 : index
    %get3A_8 = vector.load %arg4[%get3A_6, %get3A_7] : memref<1x128xf32, #tpu.memory_space<vmem>>, vector<1x128xf32>
    %add3A = vector.broadcast %get3A_8 : vector<1x128xf32> to vector<3200x128xf32>
    %add3A_9 = arith.addf %dot_general3A_5, %add3A : vector<3200x128xf32>
    %abs3A = math.absf %add3A_9 : vector<3200x128xf32>
    %mul3A = arith.mulf %add3A_9, %add3A_9 : vector<3200x128xf32>
    %min3A = arith.constant 3.600000e+01 : f32
    %min3A_10 = vector.broadcast %min3A : f32 to vector<3200x128xf32>
    %min3A_11 = arith.minimumf %mul3A, %min3A_10 : vector<3200x128xf32>
    %mul3A_12 = arith.constant -1.44138718E-15 : f32
    %mul3A_13 = vector.broadcast %mul3A_12 : f32 to vector<3200x128xf32>
    %mul3A_14 = arith.mulf %mul3A_13, %min3A_11 : vector<3200x128xf32>
    %add3A_15 = arith.constant 2.921410e-13 : f32
    %add3A_16 = vector.broadcast %add3A_15 : f32 to vector<3200x128xf32>
    %add3A_17 = arith.addf %mul3A_14, %add3A_16 : vector<3200x128xf32>
    %mul3A_18 = arith.mulf %add3A_17, %min3A_11 : vector<3200x128xf32>
    %add3A_19 = arith.constant -2.60940228E-11 : f32
    %add3A_20 = vector.broadcast %add3A_19 : f32 to vector<3200x128xf32>
    %add3A_21 = arith.addf %mul3A_18, %add3A_20 : vector<3200x128xf32>
    %mul3A_22 = arith.mulf %add3A_21, %min3A_11 : vector<3200x128xf32>
    %add3A_23 = arith.constant 1.3612389E-9 : f32
    %add3A_24 = vector.broadcast %add3A_23 : f32 to vector<3200x128xf32>
    %add3A_25 = arith.addf %mul3A_22, %add3A_24 : vector<3200x128xf32>
    %mul3A_26 = arith.mulf %add3A_25, %min3A_11 : vector<3200x128xf32>
    %add3A_27 = arith.constant -4.66052121E-8 : f32
    %add3A_28 = vector.broadcast %add3A_27 : f32 to vector<3200x128xf32>
    %add3A_29 = arith.addf %mul3A_26, %add3A_28 : vector<3200x128xf32>
    %mul3A_30 = arith.mulf %add3A_29, %min3A_11 : vector<3200x128xf32>
    %add3A_31 = arith.constant 1.12899284E-6 : f32
    %add3A_32 = vector.broadcast %add3A_31 : f32 to vector<3200x128xf32>
    %add3A_33 = arith.addf %mul3A_30, %add3A_32 : vector<3200x128xf32>
    %mul3A_34 = arith.mulf %add3A_33, %min3A_11 : vector<3200x128xf32>
    %add3A_35 = arith.constant -2.08820638E-5 : f32
    %add3A_36 = vector.broadcast %add3A_35 : f32 to vector<3200x128xf32>
    %add3A_37 = arith.addf %mul3A_34, %add3A_36 : vector<3200x128xf32>
    %mul3A_38 = arith.mulf %add3A_37, %min3A_11 : vector<3200x128xf32>
    %add3A_39 = arith.constant 3.28210386E-4 : f32
    %add3A_40 = vector.broadcast %add3A_39 : f32 to vector<3200x128xf32>
    %add3A_41 = arith.addf %mul3A_38, %add3A_40 : vector<3200x128xf32>
    %mul3A_42 = arith.mulf %add3A_41, %min3A_11 : vector<3200x128xf32>
    %add3A_43 = arith.constant -0.00517241145 : f32
    %add3A_44 = vector.broadcast %add3A_43 : f32 to vector<3200x128xf32>
    %add3A_45 = arith.addf %mul3A_42, %add3A_44 : vector<3200x128xf32>
    %mul3A_46 = arith.mulf %add3A_45, %min3A_11 : vector<3200x128xf32>
    %add3A_47 = arith.constant 0.12497253 : f32
    %add3A_48 = vector.broadcast %add3A_47 : f32 to vector<3200x128xf32>
    %add3A_49 = arith.addf %mul3A_46, %add3A_48 : vector<3200x128xf32>
    %mul3A_50 = arith.mulf %add3A_49, %min3A_11 : vector<3200x128xf32>
    %add3A_51 = arith.constant 3.55698648E-6 : f32
    %add3A_52 = vector.broadcast %add3A_51 : f32 to vector<3200x128xf32>
    %add3A_53 = arith.addf %mul3A_50, %add3A_52 : vector<3200x128xf32>
    %mul3A_54 = arith.constant 5.000000e-01 : f32
    %mul3A_55 = vector.broadcast %mul3A_54 : f32 to vector<3200x128xf32>
    %mul3A_56 = arith.mulf %mul3A_55, %add3A_9 : vector<3200x128xf32>
    %add3A_57 = arith.addf %mul3A_56, %add3A_53 : vector<3200x128xf32>
    %sub3A = arith.constant 6.000000e+00 : f32
    %sub3A_58 = vector.broadcast %sub3A : f32 to vector<3200x128xf32>
    %sub3A_59 = arith.subf %abs3A, %sub3A_58 : vector<3200x128xf32>
    %max3A = arith.constant 0.000000e+00 : f32
    %max3A_60 = vector.broadcast %max3A : f32 to vector<3200x128xf32>
    %max3A_61 = arith.maximumf %sub3A_59, %max3A_60 : vector<3200x128xf32>
    %mul3A_62 = arith.constant 5.000000e-01 : f32
    %mul3A_63 = vector.broadcast %mul3A_62 : f32 to vector<3200x128xf32>
    %mul3A_64 = arith.mulf %mul3A_63, %max3A_61 : vector<3200x128xf32>
    %add3A_65 = arith.addf %add3A_57, %mul3A_64 : vector<3200x128xf32>
    %get3A_66 = arith.constant 0 : index
    %get3A_67 = arith.constant 0 : index
    %get3A_68 = vector.load %arg5[%get3A_66, %get3A_67] : memref<128x128xf32, #tpu.memory_space<vmem>>, vector<128x128xf32>
    %dot_general3A_69 = arith.constant dense<0.000000e+00> : vector<3200x128xf32>
    %dot_general3A_70 = tpu.matmul %add3A_65, %get3A_68, %dot_general3A_69 {dimension_numbers = #tpu.dot_dimension_numbers<[1], [1], [0], [0], [0, 0, 1, 0], [], []>, transpose_lhs_hint = false} : vector<3200x128xf32>, vector<128x128xf32>, vector<3200x128xf32> -> vector<3200x128xf32>
    %get3A_71 = arith.constant 0 : index
    %get3A_72 = arith.constant 0 : index
    %get3A_73 = vector.load %arg6[%get3A_71, %get3A_72] : memref<1x128xf32, #tpu.memory_space<vmem>>, vector<1x128xf32>
    %add3A_74 = vector.broadcast %get3A_73 : vector<1x128xf32> to vector<3200x128xf32>
    %add3A_75 = arith.addf %dot_general3A_70, %add3A_74 : vector<3200x128xf32>
    %get3A_76 = arith.constant 0 : index
    %get3A_77 = arith.constant 0 : index
    %get3A_78 = vector.load %arg2[%get3A_76, %get3A_77] : memref<1x3200xf32, #tpu.memory_space<vmem>>, vector<1x3200xf32>
    %mul3A_79 = arith.constant 0.314159274 : f32
    %mul3A_80 = vector.broadcast %mul3A_79 : f32 to vector<1x3200xf32>
    %mul3A_81 = arith.mulf %get3A_78, %mul3A_80 : vector<1x3200xf32>
    %square3A = arith.mulf %mul3A_81, %mul3A_81 : vector<1x3200xf32>
    %mul3A_82 = arith.constant 1.73689962E-9 : f32
    %mul3A_83 = vector.broadcast %mul3A_82 : f32 to vector<1x3200xf32>
    %mul3A_84 = arith.mulf %mul3A_83, %square3A : vector<1x3200xf32>
    %add3A_85 = arith.constant -2.71133388E-7 : f32
    %add3A_86 = vector.broadcast %add3A_85 : f32 to vector<1x3200xf32>
    %add3A_87 = arith.addf %mul3A_84, %add3A_86 : vector<1x3200xf32>
    %mul3A_88 = arith.mulf %add3A_87, %square3A : vector<1x3200xf32>
    %add3A_89 = arith.constant 2.47734206E-5 : f32
    %add3A_90 = vector.broadcast %add3A_89 : f32 to vector<1x3200xf32>
    %add3A_91 = arith.addf %mul3A_88, %add3A_90 : vector<1x3200xf32>
    %mul3A_92 = arith.mulf %add3A_91, %square3A : vector<1x3200xf32>
    %add3A_93 = arith.constant -0.00138879707 : f32
    %add3A_94 = vector.broadcast %add3A_93 : f32 to vector<1x3200xf32>
    %add3A_95 = arith.addf %mul3A_92, %add3A_94 : vector<1x3200xf32>
    %mul3A_96 = arith.mulf %add3A_95, %square3A : vector<1x3200xf32>
    %add3A_97 = arith.constant 0.0416665226 : f32
    %add3A_98 = vector.broadcast %add3A_97 : f32 to vector<1x3200xf32>
    %add3A_99 = arith.addf %mul3A_96, %add3A_98 : vector<1x3200xf32>
    %mul3A_100 = arith.mulf %add3A_99, %square3A : vector<1x3200xf32>
    %add3A_101 = arith.constant -0.499999911 : f32
    %add3A_102 = vector.broadcast %add3A_101 : f32 to vector<1x3200xf32>
    %add3A_103 = arith.addf %mul3A_100, %add3A_102 : vector<1x3200xf32>
    %mul3A_104 = arith.mulf %add3A_103, %square3A : vector<1x3200xf32>
    %add3A_105 = arith.constant 1.000000e+00 : f32
    %add3A_106 = vector.broadcast %add3A_105 : f32 to vector<1x3200xf32>
    %add3A_107 = arith.addf %mul3A_104, %add3A_106 : vector<1x3200xf32>
    %add3A_108 = arith.constant 1.000000e+00 : f32
    %add3A_109 = vector.broadcast %add3A_108 : f32 to vector<1x3200xf32>
    %add3A_110 = arith.addf %add3A_107, %add3A_109 : vector<1x3200xf32>
    %mul3A_111 = arith.constant 5.000000e-01 : f32
    %mul3A_112 = vector.broadcast %mul3A_111 : f32 to vector<1x3200xf32>
    %mul3A_113 = arith.mulf %mul3A_112, %add3A_110 : vector<1x3200xf32>
    %le3A = arith.constant 1.000000e+01 : f32
    %le3A_114 = vector.broadcast %le3A : f32 to vector<1x3200xf32>
    %le3A_115 = arith.cmpf ole, %get3A_78, %le3A_114 : vector<1x3200xf32>
    %convert_element_type3A = arith.extui %le3A_115 : vector<1x3200xi1> to vector<1x3200xi32>
    %convert_element_type3A_116 = arith.sitofp %convert_element_type3A : vector<1x3200xi32> to vector<1x3200xf32>
    %mul3A_117 = arith.mulf %mul3A_113, %convert_element_type3A_116 : vector<1x3200xf32>
    %ge3A = arith.constant 0.000000e+00 : f32
    %ge3A_118 = vector.broadcast %ge3A : f32 to vector<1x3200xf32>
    %ge3A_119 = arith.cmpf oge, %get3A_78, %ge3A_118 : vector<1x3200xf32>
    %convert_element_type3A_120 = arith.extui %ge3A_119 : vector<1x3200xi1> to vector<1x3200xi32>
    %convert_element_type3A_121 = arith.sitofp %convert_element_type3A_120 : vector<1x3200xi32> to vector<1x3200xf32>
    %mul3A_122 = arith.mulf %mul3A_117, %convert_element_type3A_121 : vector<1x3200xf32>
    %transpose3A = tpu.transpose %mul3A_122, [1, 0] : vector<1x3200xf32> -> vector<3200x1xf32>
    %mul3A_123 = vector.broadcast %transpose3A : vector<3200x1xf32> to vector<3200x128xf32>
    %mul3A_124 = arith.mulf %add3A_75, %mul3A_123 : vector<3200x128xf32>
    %swap3A = arith.constant 0 : index
    %swap3A_125 = arith.constant 0 : index
    %swap3A_126 = vector.load %arg7[%swap3A, %swap3A_125] : memref<3200x128xf32, #tpu.memory_space<vmem>>, vector<3200x128xf32>
    tpu.vector_store %arg7[%swap3A, %swap3A_125], %mul3A_124 {strides = array<i32>} : memref<3200x128xf32, #tpu.memory_space<vmem>>, vector<3200x128xf32>,
    return
  }
  func.func @transform_0(%arg0: i32) -> (i32, i32) {
    %add3A = arith.constant 40 : i32
    %add3A_0 = arith.addi %arg0, %add3A : i32
    %c0_i32 = arith.constant 0 : i32
    %c0_i32_1 = arith.constant 0 : i32
    return %c0_i32, %add3A_0 : i32, i32
  }
  func.func @transform_1(%arg0: i32) -> (i32, i32) {
    %add3A = arith.constant 40 : i32
    %add3A_0 = arith.addi %arg0, %add3A : i32
    %c0_i32 = arith.constant 0 : i32
    %c0_i32_1 = arith.constant 0 : i32
    return %c0_i32, %add3A_0 : i32, i32
  }
  func.func @transform_2(%arg0: i32) -> (i32, i32) {
    %c0_i32 = arith.constant 0 : i32
    %c0_i32_0 = arith.constant 0 : i32
    %c0_i32_1 = arith.constant 0 : i32
    return %c0_i32, %c0_i32_0 : i32, i32
  }
  func.func @transform_3(%arg0: i32) -> (i32, i32) {
    %c0_i32 = arith.constant 0 : i32
    %c0_i32_0 = arith.constant 0 : i32
    %c0_i32_1 = arith.constant 0 : i32
    return %c0_i32, %c0_i32_0 : i32, i32
  }
  func.func @transform_4(%arg0: i32) -> (i32, i32) {
    %c0_i32 = arith.constant 0 : i32
    %c0_i32_0 = arith.constant 0 : i32
    %c0_i32_1 = arith.constant 0 : i32
    return %c0_i32, %c0_i32_0 : i32, i32
  }
  func.func @transform_5(%arg0: i32) -> (i32, i32) {
    %c0_i32 = arith.constant 0 : i32
    %c0_i32_0 = arith.constant 0 : i32
    %c0_i32_1 = arith.constant 0 : i32
    return %c0_i32, %c0_i32_0 : i32, i32
  }
  func.func @transform_6(%arg0: i32) -> (i32, i32) {
    %c0_i32 = arith.constant 0 : i32
    %c0_i32_0 = arith.constant 0 : i32
    return %arg0, %c0_i32 : i32, i32
  }
}

module attributes {stable_mosaic.version = 14 : i64} {
  func.func @_w_body(%arg0: i32, %arg1: memref<16x3200xf32, #tpu.memory_space<vmem>>, %arg2: memref<1x3200xf32, #tpu.memory_space<vmem>>, %arg3: memref<128x16xf32, #tpu.memory_space<vmem>>, %arg4: memref<1x128xf32, #tpu.memory_space<vmem>>, %arg5: memref<128x128xf32, #tpu.memory_space<vmem>>, %arg6: memref<1x128xf32, #tpu.memory_space<vmem>>, %arg7: memref<3200x128xf32, #tpu.memory_space<vmem>>) attributes {dimension_semantics = [#tpu.dimension_semantics<arbitrary>], iteration_bounds = array<i64: 40>, scalar_prefetch = 0 : i64, scratch_operands = 0 : i64, tpu.core_type = #tpu.core_type<tc>, window_params = [{transform_indices = @transform_0, window_bounds = array<i64: 16, 3200>}, {transform_indices = @transform_1, window_bounds = array<i64: 1, 3200>}, {pipeline_mode = #tpu.pipeline_mode<synchronous>, transform_indices = @transform_2, window_bounds = array<i64: 128, 16>}, {pipeline_mode = #tpu.pipeline_mode<synchronous>, transform_indices = @transform_3, window_bounds = array<i64: 1, 128>}, {pipeline_mode = #tpu.pipeline_mode<synchronous>, transform_indices = @transform_4, window_bounds = array<i64: 128, 128>}, {pipeline_mode = #tpu.pipeline_mode<synchronous>, transform_indices = @transform_5, window_bounds = array<i64: 1, 128>}, {transform_indices = @transform_6, window_bounds = array<i64: 3200, 128>}]} {
    %get3A = arith.constant 0 : index
    %get3A_0 = arith.constant 0 : index
    %get3A_1 = vector.load %arg1[%get3A, %get3A_0] : memref<16x3200xf32, #tpu.memory_space<vmem>>, vector<16x3200xf32>
    %get3A_2 = arith.constant 0 : index
    %get3A_3 = arith.constant 0 : index
    %get3A_4 = vector.load %arg3[%get3A_2, %get3A_3] : memref<128x16xf32, #tpu.memory_space<vmem>>, vector<128x16xf32>
    %dot_general3A = arith.constant dense<0.000000e+00> : vector<3200x128xf32>
    %dot_general3A_5 = tpu.matmul %get3A_1, %get3A_4, %dot_general3A {dimension_numbers = #tpu.dot_dimension_numbers<[0], [1], [1], [0], [0, 1, 1, 0], [], []>, transpose_lhs_hint = false} : vector<16x3200xf32>, vector<128x16xf32>, vector<3200x128xf32> -> vector<3200x128xf32>
    %get3A_6 = arith.constant 0 : index
    %get3A_7 = arith.constant 0 : index
    %get3A_8 = vector.load %arg4[%get3A_6, %get3A_7] : memref<1x128xf32, #tpu.memory_space<vmem>>, vector<1x128xf32>
    %add3A = vector.broadcast %get3A_8 : vector<1x128xf32> to vector<3200x128xf32>
    %add3A_9 = arith.addf %dot_general3A_5, %add3A : vector<3200x128xf32>
    %abs3A = math.absf %add3A_9 : vector<3200x128xf32>
    %mul3A = arith.mulf %add3A_9, %add3A_9 : vector<3200x128xf32>
    %min3A = arith.constant 3.600000e+01 : f32
    %min3A_10 = vector.broadcast %min3A : f32 to vector<3200x128xf32>
    %min3A_11 = arith.minimumf %mul3A, %min3A_10 : vector<3200x128xf32>
    %mul3A_12 = arith.constant -1.44138718E-15 : f32
    %mul3A_13 = vector.broadcast %mul3A_12 : f32 to vector<3200x128xf32>
    %mul3A_14 = arith.mulf %mul3A_13, %min3A_11 : vector<3200x128xf32>
    %add3A_15 = arith.constant 2.921410e-13 : f32
    %add3A_16 = vector.broadcast %add3A_15 : f32 to vector<3200x128xf32>
    %add3A_17 = arith.addf %mul3A_14, %add3A_16 : vector<3200x128xf32>
    %mul3A_18 = arith.mulf %add3A_17, %min3A_11 : vector<3200x128xf32>
    %add3A_19 = arith.constant -2.60940228E-11 : f32
    %add3A_20 = vector.broadcast %add3A_19 : f32 to vector<3200x128xf32>
    %add3A_21 = arith.addf %mul3A_18, %add3A_20 : vector<3200x128xf32>
    %mul3A_22 = arith.mulf %add3A_21, %min3A_11 : vector<3200x128xf32>
    %add3A_23 = arith.constant 1.3612389E-9 : f32
    %add3A_24 = vector.broadcast %add3A_23 : f32 to vector<3200x128xf32>
    %add3A_25 = arith.addf %mul3A_22, %add3A_24 : vector<3200x128xf32>
    %mul3A_26 = arith.mulf %add3A_25, %min3A_11 : vector<3200x128xf32>
    %add3A_27 = arith.constant -4.66052121E-8 : f32
    %add3A_28 = vector.broadcast %add3A_27 : f32 to vector<3200x128xf32>
    %add3A_29 = arith.addf %mul3A_26, %add3A_28 : vector<3200x128xf32>
    %mul3A_30 = arith.mulf %add3A_29, %min3A_11 : vector<3200x128xf32>
    %add3A_31 = arith.constant 1.12899284E-6 : f32
    %add3A_32 = vector.broadcast %add3A_31 : f32 to vector<3200x128xf32>
    %add3A_33 = arith.addf %mul3A_30, %add3A_32 : vector<3200x128xf32>
    %mul3A_34 = arith.mulf %add3A_33, %min3A_11 : vector<3200x128xf32>
    %add3A_35 = arith.constant -2.08820638E-5 : f32
    %add3A_36 = vector.broadcast %add3A_35 : f32 to vector<3200x128xf32>
    %add3A_37 = arith.addf %mul3A_34, %add3A_36 : vector<3200x128xf32>
    %mul3A_38 = arith.mulf %add3A_37, %min3A_11 : vector<3200x128xf32>
    %add3A_39 = arith.constant 3.28210386E-4 : f32
    %add3A_40 = vector.broadcast %add3A_39 : f32 to vector<3200x128xf32>
    %add3A_41 = arith.addf %mul3A_38, %add3A_40 : vector<3200x128xf32>
    %mul3A_42 = arith.mulf %add3A_41, %min3A_11 : vector<3200x128xf32>
    %add3A_43 = arith.constant -0.00517241145 : f32
    %add3A_44 = vector.broadcast %add3A_43 : f32 to vector<3200x128xf32>
    %add3A_45 = arith.addf %mul3A_42, %add3A_44 : vector<3200x128xf32>
    %mul3A_46 = arith.mulf %add3A_45, %min3A_11 : vector<3200x128xf32>
    %add3A_47 = arith.constant 0.12497253 : f32
    %add3A_48 = vector.broadcast %add3A_47 : f32 to vector<3200x128xf32>
    %add3A_49 = arith.addf %mul3A_46, %add3A_48 : vector<3200x128xf32>
    %mul3A_50 = arith.mulf %add3A_49, %min3A_11 : vector<3200x128xf32>
    %add3A_51 = arith.constant 3.55698648E-6 : f32
    %add3A_52 = vector.broadcast %add3A_51 : f32 to vector<3200x128xf32>
    %add3A_53 = arith.addf %mul3A_50, %add3A_52 : vector<3200x128xf32>
    %mul3A_54 = arith.constant 5.000000e-01 : f32
    %mul3A_55 = vector.broadcast %mul3A_54 : f32 to vector<3200x128xf32>
    %mul3A_56 = arith.mulf %mul3A_55, %add3A_9 : vector<3200x128xf32>
    %add3A_57 = arith.addf %mul3A_56, %add3A_53 : vector<3200x128xf32>
    %sub3A = arith.constant 6.000000e+00 : f32
    %sub3A_58 = vector.broadcast %sub3A : f32 to vector<3200x128xf32>
    %sub3A_59 = arith.subf %abs3A, %sub3A_58 : vector<3200x128xf32>
    %max3A = arith.constant 0.000000e+00 : f32
    %max3A_60 = vector.broadcast %max3A : f32 to vector<3200x128xf32>
    %max3A_61 = arith.maximumf %sub3A_59, %max3A_60 : vector<3200x128xf32>
    %mul3A_62 = arith.constant 5.000000e-01 : f32
    %mul3A_63 = vector.broadcast %mul3A_62 : f32 to vector<3200x128xf32>
    %mul3A_64 = arith.mulf %mul3A_63, %max3A_61 : vector<3200x128xf32>
    %add3A_65 = arith.addf %add3A_57, %mul3A_64 : vector<3200x128xf32>
    %get3A_66 = arith.constant 0 : index
    %get3A_67 = arith.constant 0 : index
    %get3A_68 = vector.load %arg5[%get3A_66, %get3A_67] : memref<128x128xf32, #tpu.memory_space<vmem>>, vector<128x128xf32>
    %dot_general3A_69 = arith.constant dense<0.000000e+00> : vector<3200x128xf32>
    %dot_general3A_70 = tpu.matmul %add3A_65, %get3A_68, %dot_general3A_69 {dimension_numbers = #tpu.dot_dimension_numbers<[1], [1], [0], [0], [0, 0, 1, 0], [], []>, transpose_lhs_hint = false} : vector<3200x128xf32>, vector<128x128xf32>, vector<3200x128xf32> -> vector<3200x128xf32>
    %get3A_71 = arith.constant 0 : index
    %get3A_72 = arith.constant 0 : index
    %get3A_73 = vector.load %arg6[%get3A_71, %get3A_72] : memref<1x128xf32, #tpu.memory_space<vmem>>, vector<1x128xf32>
    %add3A_74 = vector.broadcast %get3A_73 : vector<1x128xf32> to vector<3200x128xf32>
    %add3A_75 = arith.addf %dot_general3A_70, %add3A_74 : vector<3200x128xf32>
    %get3A_76 = arith.constant 0 : index
    %get3A_77 = arith.constant 0 : index
    %get3A_78 = vector.load %arg2[%get3A_76, %get3A_77] : memref<1x3200xf32, #tpu.memory_space<vmem>>, vector<1x3200xf32>
    %mul3A_79 = arith.constant 0.314159274 : f32
    %mul3A_80 = vector.broadcast %mul3A_79 : f32 to vector<1x3200xf32>
    %mul3A_81 = arith.mulf %get3A_78, %mul3A_80 : vector<1x3200xf32>
    %square3A = arith.mulf %mul3A_81, %mul3A_81 : vector<1x3200xf32>
    %mul3A_82 = arith.constant 1.73689962E-9 : f32
    %mul3A_83 = vector.broadcast %mul3A_82 : f32 to vector<1x3200xf32>
    %mul3A_84 = arith.mulf %mul3A_83, %square3A : vector<1x3200xf32>
    %add3A_85 = arith.constant -2.71133388E-7 : f32
    %add3A_86 = vector.broadcast %add3A_85 : f32 to vector<1x3200xf32>
    %add3A_87 = arith.addf %mul3A_84, %add3A_86 : vector<1x3200xf32>
    %mul3A_88 = arith.mulf %add3A_87, %square3A : vector<1x3200xf32>
    %add3A_89 = arith.constant 2.47734206E-5 : f32
    %add3A_90 = vector.broadcast %add3A_89 : f32 to vector<1x3200xf32>
    %add3A_91 = arith.addf %mul3A_88, %add3A_90 : vector<1x3200xf32>
    %mul3A_92 = arith.mulf %add3A_91, %square3A : vector<1x3200xf32>
    %add3A_93 = arith.constant -0.00138879707 : f32
    %add3A_94 = vector.broadcast %add3A_93 : f32 to vector<1x3200xf32>
    %add3A_95 = arith.addf %mul3A_92, %add3A_94 : vector<1x3200xf32>
    %mul3A_96 = arith.mulf %add3A_95, %square3A : vector<1x3200xf32>
    %add3A_97 = arith.constant 0.0416665226 : f32
    %add3A_98 = vector.broadcast %add3A_97 : f32 to vector<1x3200xf32>
    %add3A_99 = arith.addf %mul3A_96, %add3A_98 : vector<1x3200xf32>
    %mul3A_100 = arith.mulf %add3A_99, %square3A : vector<1x3200xf32>
    %add3A_101 = arith.constant -0.499999911 : f32
    %add3A_102 = vector.broadcast %add3A_101 : f32 to vector<1x3200xf32>
    %add3A_103 = arith.addf %mul3A_100, %add3A_102 : vector<1x3200xf32>
    %mul3A_104 = arith.mulf %add3A_103, %square3A : vector<1x3200xf32>
    %add3A_105 = arith.constant 1.000000e+00 : f32
    %add3A_106 = vector.broadcast %add3A_105 : f32 to vector<1x3200xf32>
    %add3A_107 = arith.addf %mul3A_104, %add3A_106 : vector<1x3200xf32>
    %add3A_108 = arith.constant 1.000000e+00 : f32
    %add3A_109 = vector.broadcast %add3A_108 : f32 to vector<1x3200xf32>
    %add3A_110 = arith.addf %add3A_107, %add3A_109 : vector<1x3200xf32>
    %mul3A_111 = arith.constant 5.000000e-01 : f32
    %mul3A_112 = vector.broadcast %mul3A_111 : f32 to vector<1x3200xf32>
    %mul3A_113 = arith.mulf %mul3A_112, %add3A_110 : vector<1x3200xf32>
    %le3A = arith.constant 1.000000e+01 : f32
    %le3A_114 = vector.broadcast %le3A : f32 to vector<1x3200xf32>
    %le3A_115 = arith.cmpf ole, %get3A_78, %le3A_114 : vector<1x3200xf32>
    %convert_element_type3A = arith.extui %le3A_115 : vector<1x3200xi1> to vector<1x3200xi32>
    %convert_element_type3A_116 = arith.sitofp %convert_element_type3A : vector<1x3200xi32> to vector<1x3200xf32>
    %mul3A_117 = arith.mulf %mul3A_113, %convert_element_type3A_116 : vector<1x3200xf32>
    %ge3A = arith.constant 0.000000e+00 : f32
    %ge3A_118 = vector.broadcast %ge3A : f32 to vector<1x3200xf32>
    %ge3A_119 = arith.cmpf oge, %get3A_78, %ge3A_118 : vector<1x3200xf32>
    %convert_element_type3A_120 = arith.extui %ge3A_119 : vector<1x3200xi1> to vector<1x3200xi32>
    %convert_element_type3A_121 = arith.sitofp %convert_element_type3A_120 : vector<1x3200xi32> to vector<1x3200xf32>
    %mul3A_122 = arith.mulf %mul3A_117, %convert_element_type3A_121 : vector<1x3200xf32>
    %transpose3A = tpu.transpose %mul3A_122, [1, 0] : vector<1x3200xf32> -> vector<3200x1xf32>
    %mul3A_123 = vector.broadcast %transpose3A : vector<3200x1xf32> to vector<3200x128xf32>
    %mul3A_124 = arith.mulf %add3A_75, %mul3A_123 : vector<3200x128xf32>
    %swap3A = arith.constant 0 : index
    %swap3A_125 = arith.constant 0 : index
    %swap3A_126 = vector.load %arg7[%swap3A, %swap3A_125] : memref<3200x128xf32, #tpu.memory_space<vmem>>, vector<3200x128xf32>
    tpu.vector_store %arg7[%swap3A, %swap3A_125], %mul3A_124 {strides = array<i32>} : memref<3200x128xf32, #tpu.memory_space<vmem>>, vector<3200x128xf32>,
    return
  }
  func.func @transform_0(%arg0: i32) -> (i32, i32) {
    %add3A = arith.constant 0 : i32
    %add3A_0 = arith.addi %arg0, %add3A : i32
    %c0_i32 = arith.constant 0 : i32
    %c0_i32_1 = arith.constant 0 : i32
    return %c0_i32, %add3A_0 : i32, i32
  }
  func.func @transform_1(%arg0: i32) -> (i32, i32) {
    %add3A = arith.constant 0 : i32
    %add3A_0 = arith.addi %arg0, %add3A : i32
    %c0_i32 = arith.constant 0 : i32
    %c0_i32_1 = arith.constant 0 : i32
    return %c0_i32, %add3A_0 : i32, i32
  }
  func.func @transform_2(%arg0: i32) -> (i32, i32) {
    %c0_i32 = arith.constant 0 : i32
    %c0_i32_0 = arith.constant 0 : i32
    %c0_i32_1 = arith.constant 0 : i32
    return %c0_i32, %c0_i32_0 : i32, i32
  }
  func.func @transform_3(%arg0: i32) -> (i32, i32) {
    %c0_i32 = arith.constant 0 : i32
    %c0_i32_0 = arith.constant 0 : i32
    %c0_i32_1 = arith.constant 0 : i32
    return %c0_i32, %c0_i32_0 : i32, i32
  }
  func.func @transform_4(%arg0: i32) -> (i32, i32) {
    %c0_i32 = arith.constant 0 : i32
    %c0_i32_0 = arith.constant 0 : i32
    %c0_i32_1 = arith.constant 0 : i32
    return %c0_i32, %c0_i32_0 : i32, i32
  }
  func.func @transform_5(%arg0: i32) -> (i32, i32) {
    %c0_i32 = arith.constant 0 : i32
    %c0_i32_0 = arith.constant 0 : i32
    %c0_i32_1 = arith.constant 0 : i32
    return %c0_i32, %c0_i32_0 : i32, i32
  }
  func.func @transform_6(%arg0: i32) -> (i32, i32) {
    %c0_i32 = arith.constant 0 : i32
    %c0_i32_0 = arith.constant 0 : i32
    return %arg0, %c0_i32 : i32, i32
  }
}

module attributes {stable_mosaic.version = 14 : i64} {
  func.func @_out_body(%arg0: i32, %arg1: memref<2x1000x128xf32, #tpu.memory_space<vmem>>, %arg2: memref<2x1000x128xf32, #tpu.memory_space<vmem>>, %arg3: memref<128x128xf32, #tpu.memory_space<vmem>>, %arg4: memref<1x128xf32, #tpu.memory_space<vmem>>, %arg5: memref<128x128xf32, #tpu.memory_space<vmem>>, %arg6: memref<1x128xf32, #tpu.memory_space<vmem>>, %arg7: memref<1000x128xf32, #tpu.memory_space<vmem>>) attributes {dimension_semantics = [#tpu.dimension_semantics<arbitrary>], iteration_bounds = array<i64: 10>, scalar_prefetch = 0 : i64, scratch_operands = 0 : i64, tpu.core_type = #tpu.core_type<tc>, window_params = [{transform_indices = @transform_0, window_bounds = array<i64: 2, 1000, 128>}, {transform_indices = @transform_1, window_bounds = array<i64: 2, 1000, 128>}, {pipeline_mode = #tpu.pipeline_mode<synchronous>, transform_indices = @transform_2, window_bounds = array<i64: 128, 128>}, {pipeline_mode = #tpu.pipeline_mode<synchronous>, transform_indices = @transform_3, window_bounds = array<i64: 1, 128>}, {pipeline_mode = #tpu.pipeline_mode<synchronous>, transform_indices = @transform_4, window_bounds = array<i64: 128, 128>}, {pipeline_mode = #tpu.pipeline_mode<synchronous>, transform_indices = @transform_5, window_bounds = array<i64: 1, 128>}, {transform_indices = @transform_6, window_bounds = array<i64: 1000, 128>}]} {
    %get3A = arith.constant 0 : index
    %get3A_0 = arith.constant 0 : index
    %get3A_1 = arith.constant 0 : index
    %get3A_2 = vector.load %arg1[%get3A, %get3A_0, %get3A_1] : memref<2x1000x128xf32, #tpu.memory_space<vmem>>, vector<1x1000x128xf32>
    %get3A_3 = vector.shape_cast %get3A_2 : vector<1x1000x128xf32> to vector<1000x128xf32>
    %get3A_4 = arith.constant 1 : index
    %get3A_5 = arith.constant 0 : index
    %get3A_6 = arith.constant 0 : index
    %get3A_7 = vector.load %arg1[%get3A_4, %get3A_5, %get3A_6] : memref<2x1000x128xf32, #tpu.memory_space<vmem>>, vector<1x1000x128xf32>
    %get3A_8 = vector.shape_cast %get3A_7 : vector<1x1000x128xf32> to vector<1000x128xf32>
    %add3A = arith.addf %get3A_3, %get3A_8 : vector<1000x128xf32>
    %get3A_9 = arith.constant 0 : index
    %get3A_10 = arith.constant 0 : index
    %get3A_11 = arith.constant 0 : index
    %get3A_12 = vector.load %arg2[%get3A_9, %get3A_10, %get3A_11] : memref<2x1000x128xf32, #tpu.memory_space<vmem>>, vector<1x1000x128xf32>
    %get3A_13 = vector.shape_cast %get3A_12 : vector<1x1000x128xf32> to vector<1000x128xf32>
    %add3A_14 = arith.addf %add3A, %get3A_13 : vector<1000x128xf32>
    %get3A_15 = arith.constant 1 : index
    %get3A_16 = arith.constant 0 : index
    %get3A_17 = arith.constant 0 : index
    %get3A_18 = vector.load %arg2[%get3A_15, %get3A_16, %get3A_17] : memref<2x1000x128xf32, #tpu.memory_space<vmem>>, vector<1x1000x128xf32>
    %get3A_19 = vector.shape_cast %get3A_18 : vector<1x1000x128xf32> to vector<1000x128xf32>
    %add3A_20 = arith.addf %add3A_14, %get3A_19 : vector<1000x128xf32>
    %get3A_21 = arith.constant 0 : index
    %get3A_22 = arith.constant 0 : index
    %get3A_23 = vector.load %arg3[%get3A_21, %get3A_22] : memref<128x128xf32, #tpu.memory_space<vmem>>, vector<128x128xf32>
    %dot_general3A = arith.constant dense<0.000000e+00> : vector<1000x128xf32>
    %dot_general3A_24 = tpu.matmul %add3A_20, %get3A_23, %dot_general3A {dimension_numbers = #tpu.dot_dimension_numbers<[1], [1], [0], [0], [0, 0, 1, 0], [], []>, transpose_lhs_hint = false} : vector<1000x128xf32>, vector<128x128xf32>, vector<1000x128xf32> -> vector<1000x128xf32>
    %get3A_25 = arith.constant 0 : index
    %get3A_26 = arith.constant 0 : index
    %get3A_27 = vector.load %arg4[%get3A_25, %get3A_26] : memref<1x128xf32, #tpu.memory_space<vmem>>, vector<1x128xf32>
    %add3A_28 = vector.broadcast %get3A_27 : vector<1x128xf32> to vector<1000x128xf32>
    %add3A_29 = arith.addf %dot_general3A_24, %add3A_28 : vector<1000x128xf32>
    %abs3A = math.absf %add3A_29 : vector<1000x128xf32>
    %mul3A = arith.mulf %add3A_29, %add3A_29 : vector<1000x128xf32>
    %min3A = arith.constant 3.600000e+01 : f32
    %min3A_30 = vector.broadcast %min3A : f32 to vector<1000x128xf32>
    %min3A_31 = arith.minimumf %mul3A, %min3A_30 : vector<1000x128xf32>
    %mul3A_32 = arith.constant -1.44138718E-15 : f32
    %mul3A_33 = vector.broadcast %mul3A_32 : f32 to vector<1000x128xf32>
    %mul3A_34 = arith.mulf %mul3A_33, %min3A_31 : vector<1000x128xf32>
    %add3A_35 = arith.constant 2.921410e-13 : f32
    %add3A_36 = vector.broadcast %add3A_35 : f32 to vector<1000x128xf32>
    %add3A_37 = arith.addf %mul3A_34, %add3A_36 : vector<1000x128xf32>
    %mul3A_38 = arith.mulf %add3A_37, %min3A_31 : vector<1000x128xf32>
    %add3A_39 = arith.constant -2.60940228E-11 : f32
    %add3A_40 = vector.broadcast %add3A_39 : f32 to vector<1000x128xf32>
    %add3A_41 = arith.addf %mul3A_38, %add3A_40 : vector<1000x128xf32>
    %mul3A_42 = arith.mulf %add3A_41, %min3A_31 : vector<1000x128xf32>
    %add3A_43 = arith.constant 1.3612389E-9 : f32
    %add3A_44 = vector.broadcast %add3A_43 : f32 to vector<1000x128xf32>
    %add3A_45 = arith.addf %mul3A_42, %add3A_44 : vector<1000x128xf32>
    %mul3A_46 = arith.mulf %add3A_45, %min3A_31 : vector<1000x128xf32>
    %add3A_47 = arith.constant -4.66052121E-8 : f32
    %add3A_48 = vector.broadcast %add3A_47 : f32 to vector<1000x128xf32>
    %add3A_49 = arith.addf %mul3A_46, %add3A_48 : vector<1000x128xf32>
    %mul3A_50 = arith.mulf %add3A_49, %min3A_31 : vector<1000x128xf32>
    %add3A_51 = arith.constant 1.12899284E-6 : f32
    %add3A_52 = vector.broadcast %add3A_51 : f32 to vector<1000x128xf32>
    %add3A_53 = arith.addf %mul3A_50, %add3A_52 : vector<1000x128xf32>
    %mul3A_54 = arith.mulf %add3A_53, %min3A_31 : vector<1000x128xf32>
    %add3A_55 = arith.constant -2.08820638E-5 : f32
    %add3A_56 = vector.broadcast %add3A_55 : f32 to vector<1000x128xf32>
    %add3A_57 = arith.addf %mul3A_54, %add3A_56 : vector<1000x128xf32>
    %mul3A_58 = arith.mulf %add3A_57, %min3A_31 : vector<1000x128xf32>
    %add3A_59 = arith.constant 3.28210386E-4 : f32
    %add3A_60 = vector.broadcast %add3A_59 : f32 to vector<1000x128xf32>
    %add3A_61 = arith.addf %mul3A_58, %add3A_60 : vector<1000x128xf32>
    %mul3A_62 = arith.mulf %add3A_61, %min3A_31 : vector<1000x128xf32>
    %add3A_63 = arith.constant -0.00517241145 : f32
    %add3A_64 = vector.broadcast %add3A_63 : f32 to vector<1000x128xf32>
    %add3A_65 = arith.addf %mul3A_62, %add3A_64 : vector<1000x128xf32>
    %mul3A_66 = arith.mulf %add3A_65, %min3A_31 : vector<1000x128xf32>
    %add3A_67 = arith.constant 0.12497253 : f32
    %add3A_68 = vector.broadcast %add3A_67 : f32 to vector<1000x128xf32>
    %add3A_69 = arith.addf %mul3A_66, %add3A_68 : vector<1000x128xf32>
    %mul3A_70 = arith.mulf %add3A_69, %min3A_31 : vector<1000x128xf32>
    %add3A_71 = arith.constant 3.55698648E-6 : f32
    %add3A_72 = vector.broadcast %add3A_71 : f32 to vector<1000x128xf32>
    %add3A_73 = arith.addf %mul3A_70, %add3A_72 : vector<1000x128xf32>
    %mul3A_74 = arith.constant 5.000000e-01 : f32
    %mul3A_75 = vector.broadcast %mul3A_74 : f32 to vector<1000x128xf32>
    %mul3A_76 = arith.mulf %mul3A_75, %add3A_29 : vector<1000x128xf32>
    %add3A_77 = arith.addf %mul3A_76, %add3A_73 : vector<1000x128xf32>
    %sub3A = arith.constant 6.000000e+00 : f32
    %sub3A_78 = vector.broadcast %sub3A : f32 to vector<1000x128xf32>
    %sub3A_79 = arith.subf %abs3A, %sub3A_78 : vector<1000x128xf32>
    %max3A = arith.constant 0.000000e+00 : f32
    %max3A_80 = vector.broadcast %max3A : f32 to vector<1000x128xf32>
    %max3A_81 = arith.maximumf %sub3A_79, %max3A_80 : vector<1000x128xf32>
    %mul3A_82 = arith.constant 5.000000e-01 : f32
    %mul3A_83 = vector.broadcast %mul3A_82 : f32 to vector<1000x128xf32>
    %mul3A_84 = arith.mulf %mul3A_83, %max3A_81 : vector<1000x128xf32>
    %add3A_85 = arith.addf %add3A_77, %mul3A_84 : vector<1000x128xf32>
    %get3A_86 = arith.constant 0 : index
    %get3A_87 = arith.constant 0 : index
    %get3A_88 = vector.load %arg5[%get3A_86, %get3A_87] : memref<128x128xf32, #tpu.memory_space<vmem>>, vector<128x128xf32>
    %dot_general3A_89 = arith.constant dense<0.000000e+00> : vector<1000x128xf32>
    %dot_general3A_90 = tpu.matmul %add3A_85, %get3A_88, %dot_general3A_89 {dimension_numbers = #tpu.dot_dimension_numbers<[1], [1], [0], [0], [0, 0, 1, 0], [], []>, transpose_lhs_hint = false} : vector<1000x128xf32>, vector<128x128xf32>, vector<1000x128xf32> -> vector<1000x128xf32>
    %get3A_91 = arith.constant 0 : index
    %get3A_92 = arith.constant 0 : index
    %get3A_93 = vector.load %arg6[%get3A_91, %get3A_92] : memref<1x128xf32, #tpu.memory_space<vmem>>, vector<1x128xf32>
    %add3A_94 = vector.broadcast %get3A_93 : vector<1x128xf32> to vector<1000x128xf32>
    %add3A_95 = arith.addf %dot_general3A_90, %add3A_94 : vector<1000x128xf32>
    %swap3A = arith.constant 0 : index
    %swap3A_96 = arith.constant 0 : index
    %swap3A_97 = vector.load %arg7[%swap3A, %swap3A_96] : memref<1000x128xf32, #tpu.memory_space<vmem>>, vector<1000x128xf32>
    tpu.vector_store %arg7[%swap3A, %swap3A_96], %add3A_95 {strides = array<i32>} : memref<1000x128xf32, #tpu.memory_space<vmem>>, vector<1000x128xf32>,
    return
  }
  func.func @transform_0(%arg0: i32) -> (i32, i32, i32) {
    %c0_i32 = arith.constant 0 : i32
    %c0_i32_0 = arith.constant 0 : i32
    %c0_i32_1 = arith.constant 0 : i32
    return %c0_i32, %arg0, %c0_i32_0 : i32, i32, i32
  }
  func.func @transform_1(%arg0: i32) -> (i32, i32, i32) {
    %c0_i32 = arith.constant 0 : i32
    %c0_i32_0 = arith.constant 0 : i32
    %c0_i32_1 = arith.constant 0 : i32
    return %c0_i32, %arg0, %c0_i32_0 : i32, i32, i32
  }
  func.func @transform_2(%arg0: i32) -> (i32, i32) {
    %c0_i32 = arith.constant 0 : i32
    %c0_i32_0 = arith.constant 0 : i32
    %c0_i32_1 = arith.constant 0 : i32
    return %c0_i32, %c0_i32_0 : i32, i32
  }
  func.func @transform_3(%arg0: i32) -> (i32, i32) {
    %c0_i32 = arith.constant 0 : i32
    %c0_i32_0 = arith.constant 0 : i32
    %c0_i32_1 = arith.constant 0 : i32
    return %c0_i32, %c0_i32_0 : i32, i32
  }
  func.func @transform_4(%arg0: i32) -> (i32, i32) {
    %c0_i32 = arith.constant 0 : i32
    %c0_i32_0 = arith.constant 0 : i32
    %c0_i32_1 = arith.constant 0 : i32
    return %c0_i32, %c0_i32_0 : i32, i32
  }
  func.func @transform_5(%arg0: i32) -> (i32, i32) {
    %c0_i32 = arith.constant 0 : i32
    %c0_i32_0 = arith.constant 0 : i32
    %c0_i32_1 = arith.constant 0 : i32
    return %c0_i32, %c0_i32_0 : i32, i32
  }
  func.func @transform_6(%arg0: i32) -> (i32, i32) {
    %c0_i32 = arith.constant 0 : i32
    %c0_i32_0 = arith.constant 0 : i32
    return %arg0, %c0_i32 : i32, i32
  }
}

</mosaic_0001>

<sc_bundles>
// kernel: kernel.11.cloned.1.call-start
scs
__scs_entry_jumppad:
0x0: {  	(pc) =	sbr.rel $0x88, $3  }
0x1: {  	(tag) =	ssettag $0x0;
	lr =	simm.s32 $0x1  }
0x2: {  	[smem:$0x3F94] =	sst lr;
	_ =	strace $0xD0000000  }
0x3: {  	_ = 	snop  }
0x4: {  	_ = 	snop  }
0x5: {  	_ = 	snop  }
0x6: {  	_ = 	snop  }
0x7: {  	_ = 	snop  }
__scs_overlays_trampoline_lowered:
0x8: {  	[smem:$0x3FA3] =	sst s0  }
0x9: {  	[smem:$0x3FA4] =	sst s1  }
0xa: {  	[smem:$0x3FA5] =	sst s2  }
0xb: {  	[smem:$0x3FA6] =	sst s3  }
0xc: {  	[smem:$0x3FA7] =	sst s4  }
0xd: {  	[smem:$0x3FA8] =	sst s5  }
0xe: {  	[smem:$0x3FA9] =	sst s6  }
0xf: {  	[smem:$0x3FAA] =	sst s7  }
0x10: {  	[smem:$0x3FAB] =	sst s8  }
0x11: {  	[smem:$0x3FAC] =	sst s9;
	s0 =	simm.s32 @!p0 $0x0  }
0x12: {  	s1 =	sld [smem:$0x3F92];
	s0 =	simm.s32 @p0 $0x1  }
0x13: {  	[smem:$0x3FAD] =	sst s0;
	s0 =	simm.s32 @!p1 $0x0  }
0x14: {  	s2 =	sld [smem:$0x3F91];
	s0 =	simm.s32 @p1 $0x1  }
0x15: {  	[smem:$0x3FAE] =	sst s0;
	s0 =	simm.s32 @!p2 $0x0  }
0x16: {  	s3 =	sld [smem:$0x3FDB];
	s0 =	simm.s32 @p2 $0x1  }
0x17: {  	s4 =	simm.s32 $0x1BF5;
	[smem:$0x3FB0] =	sst s0  }
0x18: {  	s0 =	sld [smem:$0x3F93];
	_ =	swait.ge [sflag:s4], $0x0  }
0x19: {  	s7 =	sld [smem:$0x3F94]  }
0x1a: {  	s8 =	sadd.s32 $0xFFFFE003, lr  }
0x1b: {  	s9 =	sadd.s32 $0xFFFFFEF7, lr;
	s5 =	simm.s32 $0xFFFFFFFF;
	p2 =	slt.u32 s8, $0xFFFFF086  }
0x1c: {  	p1 =	slt.u32 s9, $0xF7A;
	s5 =	simm.s32 @!p2 $0x0  }
0x1d: {  	s5 =	simm.s32 @p1 $0x1;
	p0 =	seq.s32 s7, s2  }
0x1e: {  	s7 =	smul.u32 @!p0 $0xF7A, s2;
	p2 =	seq.s32 @!p0 s5, $0x0  }
0x1f: {  	s9 =	smul.u32 $0xF7A, s1;
	s8 =	simm.s32 @!p0 $0x1BF5;
	p2 =	por !p2, p0  }
0x20: {  	[sflag:s8] =	ssyncset.s32 @!p0 $0xFFFFF086;
	s6 =	sadd.s32 @!p0 s3, s7;
	s7 =	simm.s32 @!p0 $0x108  }
0x21: {  	s3 =	sadd.s32 s3, s9;
	s6 =	sadd.s32 @!p0 $0x88, s6;
	s7 =	simm.s32 @p2 $0x1082  }
0x22: {  	[simem:s7], [sflag:s8] =	dma.local @!p0 [hbm:s6], $0xF7A  }
0x23: {  	s9 =	sor.u32 $0xD0000000, s2;
	s6 =	simm.s32 $0x108;
	_ =	swait.ge @!p0 [sflag:s8], $0x0  }
0x24: {  	s3 =	sadd.s32 $0x88, s3;
	s6 =	simm.s32 @!p1 $0x1082;
	[sflag:s4] =	ssyncset.s32 $0xFFFFF086  }
0x25: {  	[simem:s6], [sflag:s4] =	dma.local [hbm:s3], $0xF7A  }
0x26: {  	[smem:$0x3F94] =	sst s1;
	(tag) =	ssettag s2;
	_ =	strace s9  }
0x27: {  	s1 =	sld [smem:$0x3FA4]  }
0x28: {  	s2 =	sld [smem:$0x3FA5]  }
0x29: {  	s4 =	sld [smem:$0x3FA7]  }
0x2a: {  	p0 =	seq.s32 s5, $0x0;
	s5 =	sld [smem:$0x3FA8]  }
0x2b: {  	s6 =	sld [smem:$0x3FA9]  }
0x2c: {  	s7 =	sld [smem:$0x3FAA]  }
0x2d: {  	s3 =	simm.s32 $0x108;
	s8 =	sld [smem:$0x3FAB]  }
0x2e: {  	s3 =	simm.s32 @!p0 $0x1082;
	s9 =	sld [smem:$0x3FAC]  }
0x2f: {  	lr =	sadd.s32 s0, s3;
	s0 =	sld [smem:$0x3FA3]  }
0x30: {  	s3 =	sld [smem:$0x3FA6]  }
0x31: {  	[smem:$0x3FAF] =	sst s10  }
0x32: {  	s10 =	sld [smem:$0x3FAD];
	_ =	sdelay $0x3  }
0x33: {  	p0 =	seq.s32 s10, $0x1;
	s10 =	sld [smem:$0x3FAF];
	_ =	sdelay $0x3  }
0x34: {  	[smem:$0x3FAF] =	sst s10  }
0x35: {  	s10 =	sld [smem:$0x3FAE];
	_ =	sdelay $0x3  }
0x36: {  	p1 =	seq.s32 s10, $0x1;
	s10 =	sld [smem:$0x3FAF];
	_ =	sdelay $0x3  }
0x37: {  	[smem:$0x3FAF] =	sst s10  }
0x38: {  	s10 =	sld [smem:$0x3FB0]  }
0x39: {  	_ = 	snop;
	(pc) =	sbr.ind lr, $3  }
0x3a: {  	_ = 	snop  }
0x3b: {  	_ = 	snop  }
0x3c: {  	p2 =	seq.s32 s10, $0x1;
	s10 =	sld [smem:$0x3FAF]  }
0x3d: {  	_ =	shalt  }
0x3e: {  	_ =	shalt  }
0x3f: {  	_ =	shalt  }
0x40: {  	_ =	shalt  }
0x41: {  	_ =	shalt  }
0x42: {  	_ =	shalt  }
0x43: {  	_ =	shalt  }
0x44: {  	_ =	shalt  }
0x45: {  	_ =	shalt  }
0x46: {  	_ =	shalt  }
0x47: {  	_ =	shalt  }
0x48: {  	_ =	shalt  }
0x49: {  	_ =	shalt  }
0x4a: {  	_ =	shalt  }
0x4b: {  	_ =	shalt  }
0x4c: {  	_ =	shalt  }
0x4d: {  	_ =	shalt  }
0x4e: {  	_ =	shalt  }
0x4f: {  	_ =	shalt  }
0x50: {  	_ =	shalt  }
0x51: {  	_ =	shalt  }
0x52: {  	_ =	shalt  }
0x53: {  	_ =	shalt  }
0x54: {  	_ =	shalt  }
0x55: {  	_ =	shalt  }
0x56: {  	_ =	shalt  }
0x57: {  	_ =	shalt  }
0x58: {  	_ =	shalt  }
0x59: {  	_ =	shalt  }
0x5a: {  	_ =	shalt  }
0x5b: {  	_ =	shalt  }
0x5c: {  	_ =	shalt  }
0x5d: {  	_ =	shalt  }
0x5e: {  	_ =	shalt  }
0x5f: {  	_ =	shalt  }
0x60: {  	_ =	shalt  }
0x61: {  	_ =	shalt  }
0x62: {  	_ =	shalt  }
0x63: {  	_ =	shalt  }
0x64: {  	_ =	shalt  }
0x65: {  	_ =	shalt  }
0x66: {  	_ =	shalt  }
0x67: {  	_ =	shalt  }
0x68: {  	_ =	shalt  }
0x69: {  	_ =	shalt  }
0x6a: {  	_ =	shalt  }
0x6b: {  	_ =	shalt  }
0x6c: {  	_ =	shalt  }
0x6d: {  	_ =	shalt  }
0x6e: {  	_ =	shalt  }
0x6f: {  	_ =	shalt  }
0x70: {  	_ =	shalt  }
0x71: {  	_ =	shalt  }
0x72: {  	_ =	shalt  }
0x73: {  	_ =	shalt  }
0x74: {  	_ =	shalt  }
0x75: {  	_ =	shalt  }
0x76: {  	_ =	shalt  }
0x77: {  	_ =	shalt  }
0x78: {  	_ =	shalt  }
0x79: {  	_ =	shalt  }
0x7a: {  	_ =	shalt  }
0x7b: {  	_ =	shalt  }
0x7c: {  	_ =	shalt  }
0x7d: {  	_ =	shalt  }
0x7e: {  	_ =	shalt  }
0x7f: {  	_ =	shalt  }
0x80: {  	_ =	shalt  }
0x81: {  	_ =	shalt  }
0x82: {  	_ =	shalt  }
0x83: {  	_ =	shalt  }
0x84: {  	_ =	shalt  }
0x85: {  	_ =	shalt  }
0x86: {  	_ =	shalt  }
0x87: {  	_ =	shalt  }
.Lfunc_end0:
.L_simem_size_0:
called_computation.1_lowered:
.L_overlay_start_0:
0x88: {  	s2 =	sld [smem:$0x3FD9]  }
0x89: {  	s3 =	sld [smem:$0x3FFE];
	_ =	sdelay $0x1  }
0x8a: {  	s1 =	srdreg.scid  }
0x8b: {  	s0 =	sand.u32 $0x1, s1  }
0x8c: {  	s17 =	sshll.u32 s0, $0xA;
	s2 =	sadd.s32 s3, s2  }
0x8d: {  	s2 =	sadd.s32 s2, s17  }
0x8e: {  	[smem:$0x3FBB] =	sst s2  }
0x8f: {  	_ = 	snop  }
0x90: {  	s2 =	sld [smem:$0x3FD0];
	(tm) =	ssettm $0x1  }
0x91: {  	s18 =	sld [smem:$0x3FFB];
	_ =	sdelay $0x3  }
0x92: {  	_ =	strace s18  }
0x93: {  	s3 =	sld [smem:$0x3FFC];
	_ =	sdelay $0x3  }
0x94: {  	_ =	strace s3  }
0x95: {  	s3 =	sld [smem:$0x3FFD];
	_ =	sdelay $0x3  }
0x96: {  	_ =	strace s3  }
0x97: {  	_ =	strace $0x8FFFFFFF  }
0x98: {  	s19 =	sld [smem:$0x3FDB];
	_ =	sdelay $0x1  }
0x99: {  	s4 =	simm.s32 $_scs_section_size  }
0x9a: {  	s5 =	simm.s32 $_size__tile_overlayer_lowered;
	s6 =	simm.s32 $_tile_overlayer_lowered  }
0x9b: {  	s22 =	simm.s32 $0x1BFF;
	s21 =	sshll.u32 s6, $0x1;
	s3 =	sadd.s32 s4, s19  }
0x9c: {  	s7 =	simm.s32 $0x0;
	s20 =	sshll.u32 s5, $0x1;
	s5 =	sadd.s32 s21, s3  }
0x9d: {  	[timem:s7], [sflag:s22] =	dma.local [hbm:s5], s20  }
0x9e: {  	_ =	swait.ge [sflag:s22], s20  }
0x9f: {  	s4 =	ssub.s32 $0x0, s20;
	[sflag:s22] =	ssyncset.done $0x0  }
0xa0: {  	[sflag:s22] =	ssyncadd.s32 s4;
	_ =	sdelay $0x1  }
0xa1: {  	s23 =	simm.s32 $0x1B8B  }
0xa2: {  	_ =	swait.ge [sflag:s23], $0x1  }
0xa3: {  	[sflag:s23] =	ssyncset.done $0x0  }
0xa4: {  	s25 =	simm.s32 $0x1B8E;
	s24 =	sld [smem:$0x3FFE];
	[sflag:s23] =	ssyncadd.s32 $0xFFFFFFFF  }
0xa5: {  	s26 =	simm.s32 $execute0_lowered;
	[smem:$0x3FD2] =	sst s25  }
0xa6: {  	s5 =	sshll.u32 s26, $0x1;
	_ =	strace $0x80000046;
	[dreg:$0x1] =	wrdreg $0xFFFFFFFF  }
0xa7: {  	s28 =	simm.s32 $_size_execute0_lowered;
	s3 =	sadd.s32 s3, s5;
	[dreg:$0x0] =	wrdreg $0x0  }
0xa8: {  	s5 =	sshll.u32 s28, $0x1;
	[dreg:$0x2] =	wrdreg s3  }
0xa9: {  	[dreg:$0x3] =	wrdreg s5  }
0xaa: {  	[dreg:$0x4] =	wrdreg $0xC0  }
0xab: {  	_ =	task [dreg:s7], $0x5FFFF  }
0xac: {  	[dreg:$0x1] =	wrdreg $0xFFFFFFFF  }
0xad: {  	[dreg:$0x0] =	wrdreg $0x60  }
0xae: {  	[dreg:$0x2] =	wrdreg s2  }
0xaf: {  	[dreg:$0x3] =	wrdreg s24  }
0xb0: {  	[dreg:$0x4] =	wrdreg $0x59000  }
0xb1: {  	[dreg:$0x5] =	wrdreg $0xA  }
0xb2: {  	_ =	task.clear_ibuf [dreg:s7], $0x6FFFF;
	_ =	strace $0x90000046  }
0xb3: {  	s29 =	simm.s32 $0xA;
	_ =	strace $0x80000048  }
0xb4: {  	_ =	swait.ge [sflag:s29], $0x1  }
0xb5: {  	[sflag:s29] =	ssyncadd.s32 $0xFFFFFFFF  }
0xb6: {  	_ =	strace $0x90000048  }
0xb7: {  	_ =	sfence  }
0xb8: {  	s30 =	sld [smem:$0x0];
	_ =	sdelay $0x2  }
0xb9: {  	s31 =	sshll.u32 s1, $0xD;
	s1 =	sshrl.u32 s1, $0x2  }
0xba: {  	s3 =	sand.u32 $0x4000, s31;
	s1 =	sadd.s32 s1, s30  }
0xbb: {  	s0 =	sor.u32 s3, s0;
	s1 =	sshll.u32 s1, $0x11  }
0xbc: {  	s0 =	sor.u32 s1, s0  }
0xbd: {  	s0 =	sadd.s32 $0x8F2B, s0  }
0xbe: {  	[sflag:s0] =	ssyncadd.remote.s32 $0x1  }
0xbf: {  	_ =	sfence.sel $0xFFFF  }
0xc0: {  	[dreg:$0x0] =	wrdreg $0xFFFFFFFF;
	(pc) =	sbr.abs _section_cstart, $3  }
0xc1: {  	[dreg:$0x1] =	wrdreg $0xFFFFFFFF  }
0xc2: {  	_ =	task.clear_ibuf [dreg:s7], $0x2FFFF;
	_ =	strace $0x9FFFFFFF  }
0xc3: {  	(tm) =	ssettm $0x7FFFFFFF  }
tec
execute0_lowered:
.L_overlay_start_1:
0x0: {  	(tag) =	ssettag $0x1  }
0x1: {  	s1 =	rddreg [dreg:$0x0]  }
0x2: {  	s8 =	rddreg [dreg:$0x1]  }
0x3: {  	s2 =	rddreg [dreg:$0x2];
	s3 =	srdreg.scid  }
0x4: {  	s0 =	rddreg [dreg:$0x3];
	s4 =	simm.s32 $0x0;
	s15 =	simm.s32 $0x80  }
0x5: {  	s16 =	simm.s32 $0x50;
	s17 =	simm.s32 $0x100;
	s18 =	simm.s32 $0x2900  }
0x6: {  	s19 =	simm.s32 $0x0;
	s9 =	sand.u32 $0x1, s3;
	s3 =	stileid.u32  }
0x7: {  	[smem:$0x7FF] =	sst s4;
	s5 =	sadd.s32 $0x15A00, s8;
	s10 =	smul.u32 $0x140000, s9  }
0x8: {  	s6 =	sadd.s32 $0x1A00, s8;
	s7 =	sadd.s32 $0xBA00, s8;
	s11 =	smul.u32 $0x14000, s3  }
0x9: {  	_ =	strace $0x80000047;
	s12 =	smul.u32 $0x50000, s3;
	s30 =	ssub.s32 $0x2, s9  }
0xa: {  	s29 =	sshll.u32 s3, $0x1;
	s31 =	sshrl.u32 s30, $0x1;
	s10 =	sadd.s32 s11, s10  }
0xb: {  	s11 =	sor.u32 s9, s29;
	s12 =	sshrl.u32 s12, $0x2;
	s10 =	sshrl.u32 s10, $0x3  }
0xc: {  	s14 =	ssub.s32 s30, s31;
	s13 =	sadd.s32 s10, s8;
	s8 =	smul.u32 $0x1770, s11  }
0xd: {  	s9 =	sadd.s32 s12, s2;
	s10 =	smul.u32 $0x2800, s11;
	s11 =	smax.u32 s14, $0x1  }
0xe: {  	v0 =	vimm.f32 $0.0e+00;
	s14 =	simm.s32 $0x1;
	s12 =	sadd.s32 $0x303A00, s13;
	s13 =	simm.s32 $0x5100  }
.LBB2_1:
0xf: {  	s20 =	simm.s32 $0x0;
	s21 =	simm.s32 $0x200  }
.LBB2_2:
0x10: {  	p0 =	sne.s32 s21, $0x1E00;
	[tilespmem:s20+$0x5170] =	vst v0  }
0x11: {  	[tilespmem:s20+$0x5100] =	vst v0  }
0x12: {  	[tilespmem:s20+$0x5110] =	vst v0  }
.Ltmp0:
0x13: {  	[tilespmem:s20+$0x5120] =	vst v0;
	(pc) =	sbr.rel @p0 .LBB2_2-.Ltmp0, $4  }
0x14: {  	[tilespmem:s20+$0x5130] =	vst v0  }
0x15: {  	[tilespmem:s20+$0x5140] =	vst v0  }
0x16: {  	[tilespmem:s20+$0x5150] =	vst v0  }
0x17: {  	[tilespmem:s20+$0x5160] =	vst v0;
	s20 =	sshra.s32 s21, $0x2;
	s21 =	sadd.s32 $0x200, s21  }
0x18: {  	[tilespmem:s20+$0x5170] =	vst v0  }
0x19: {  	[tilespmem:s20+$0x5100] =	vst v0  }
0x1a: {  	[tilespmem:s20+$0x5110] =	vst v0  }
0x1b: {  	[tilespmem:s20+$0x5120] =	vst v0  }
0x1c: {  	[tilespmem:s20+$0x5130] =	vst v0  }
0x1d: {  	[tilespmem:s20+$0x5140] =	vst v0  }
0x1e: {  	[tilespmem:s20+$0x5150] =	vst v0  }
0x1f: {  	[tilespmem:s20+$0x5160] =	vst v0;
	s31 =	sadd.s32 $0x0, s9  }
0x20: {  	[spmem:s31] =	stream.linear.scatter [tilespmem:s13], [sflag:$0x1], $0x800, $0x38;
	[tilespmem:$0x19900] =	vst v63  }
0x21: {  	s20 =	simm.s32 $0x2000;
	_ =	swait.ge [sflag:s14], $0x800  }
.LBB2_4:
0x22: {  	s21 =	sshra.s32 s20, $0x2;
	[sflag:s14] =	ssyncset.done $0x0;
	p0 =	sne.s32 s20, $0x4E000  }
.Ltmp1:
0x23: {  	s21 =	sadd.s32 s21, s9;
	[sflag:s14] =	ssyncadd.s32 $0xFFFFF800;
	(pc) =	sbr.rel @p0 .LBB2_4-.Ltmp1, $3  }
0x24: {  	[spmem:s21] =	stream.linear.scatter [tilespmem:s13], [sflag:$0x1], $0x800, $0x38;
	[tilespmem:$0x19900] =	vst v63  }
0x25: {  	s20 =	sadd.s32 $0x2000, s20;
	_ =	sdelay $0x1  }
0x26: {  	_ =	swait.ge [sflag:s14], $0x800  }
0x27: {  	[sflag:s14] =	ssyncset.done $0x0  }
0x28: {  	[sflag:s14] =	ssyncadd.s32 $0xFFFFF800  }
0x29: {  	s20 =	simm.s32 $0x0;
	s21 =	simm.s32 $0x0;
	[bflag:$0x0] =	sbarrier.arrive $0xFFFF  }
.LBB2_6:
0x2a: {  	s22 =	sshll.u32 s21, $0x7  }
0x2b: {  	s23 =	sand.u32 $0x3C00, s22  }
0x2c: {  	s22 =	sand.u32 $0x380, s22;
	s23 =	sadd.s32 s10, s23  }
0x2d: {  	s22 =	sor.u32 s22, s23  }
0x2e: {  	s22 =	sshrl.u32 s22, $0x3  }
0x2f: {  	s30 =	sadd.s32 s6, s22  }
0x30: {  	[tilespmem:s20], [sflag:$0x1] =	stream.linear.gather [hbm4b:s30+s20], $0x80, $0x38;
	[tilespmem:$0x19900] =	vst v63  }
0x31: {  	_ =	swait.ge [sflag:s14], $0x80  }
0x32: {  	[sflag:s14] =	ssyncset.done $0x0  }
0x33: {  	s22 =	sadd.s32 s7, s22;
	[sflag:s14] =	ssyncadd.s32 $0xFFFFFF80  }
0x34: {  	[tilespmem:s15], [sflag:$0x1] =	stream.linear.gather [hbm4b:s22+s20], $0x80, $0x38;
	[tilespmem:$0x19900] =	vst v63  }
0x35: {  	_ =	swait.ge [sflag:s14], $0x80  }
0x36: {  	[sflag:s14] =	ssyncset.done $0x0  }
0x37: {  	s31 =	smul.u32 $0x50, s21;
	[sflag:s14] =	ssyncadd.s32 $0xFFFFFF80  }
0x38: {  	[tilespmem:s17], [sflag:$0x1] =	stream.indirect.gather [hbm4b:s1+s16], $0x80, s20, s16, $0xb8;
	[tilespmem:$0x19900] =	vst v63  }
0x39: {  	s22 =	sadd.s32 s8, s31;
	_ =	swait.ge [sflag:s14], $0x2800  }
0x3a: {  	s22 =	sshll.u32 s22, $0x4;
	[sflag:s14] =	ssyncset.done $0x0  }
0x3b: {  	s22 =	sadd.s32 s5, s22;
	[sflag:s14] =	ssyncadd.s32 $0xFFFFD800  }
0x3c: {  	[tilespmem:s18], [sflag:$0x1] =	stream.linear.gather [hbm4b:s22+s20], $0x2800, $0x38;
	[tilespmem:$0x19900] =	vst v63  }
0x3d: {  	_ =	swait.ge [sflag:s14], $0x2800  }
0x3e: {  	[sflag:s14] =	ssyncset.done $0x0  }
0x3f: {  	s22 =	simm.s32 $0x0;
	[sflag:s14] =	ssyncadd.s32 $0xFFFFD800  }
0x40: {  	v8 =	vld [tilespmem:s22+$0x100]  }
0x41: {  	v12 =	vld [tilespmem:s22+$0x110]  }
0x42: {  	v6 =	vld [tilespmem:s22+$0x120]  }
0x43: {  	v5 =	vld [tilespmem:s22+$0x130]  }
0x44: {  	v4 =	vld [tilespmem:s22+$0x140]  }
0x45: {  	v3 =	vld [tilespmem:s22+$0x150]  }
0x46: {  	v2 =	vld [tilespmem:s22+$0x160]  }
0x47: {  	v1 =	vld [tilespmem:s22+$0x170]  }
0x48: {  	v13 =	vld [tilespmem:s22+$0x2900]  }
0x49: {  	v14 =	vld [tilespmem:s22+$0x2910]  }
0x4a: {  	v11 =	vld [tilespmem:s22+$0x2920]  }
0x4b: {  	v10 =	vld [tilespmem:s22+$0x2930]  }
0x4c: {  	v9 =	vld [tilespmem:s22+$0x2940]  }
0x4d: {  	v7 =	vld [tilespmem:s22+$0x2950];
	v13 =	vmul.f32 v8, v13  }
0x4e: {  	s23 =	simm.s32 $0x200;
	v12 =	vmul.f32 v12, v14;
	v8 =	vld [tilespmem:s22+$0x2960]  }
.LBB2_7:
0x4f: {  	s24 =	sshra.s32 s23, $0x2;
	p0 =	sne.s32 s23, $0x9E00;
	[tilespmem:s22+$0x2900] =	vst v13;
	v6 =	vmul.f32 v6, v11;
	v11 =	vld [tilespmem:s22+$0x2970]  }
0x50: {  	v13 =	vld [tilespmem:s24+$0x100];
	[tilespmem:s22+$0x2910] =	vst v12;
	v5 =	vmul.f32 v5, v10  }
0x51: {  	v12 =	vld [tilespmem:s24+$0x110];
	[tilespmem:s22+$0x2920] =	vst v6;
	v4 =	vmul.f32 v4, v9  }
0x52: {  	v6 =	vld [tilespmem:s24+$0x120];
	[tilespmem:s22+$0x2930] =	vst v5;
	v3 =	vmul.f32 v3, v7  }
0x53: {  	v5 =	vld [tilespmem:s24+$0x130];
	[tilespmem:s22+$0x2940] =	vst v4;
	v2 =	vmul.f32 v2, v8  }
0x54: {  	v4 =	vld [tilespmem:s24+$0x140];
	[tilespmem:s22+$0x2950] =	vst v3;
	v1 =	vmul.f32 v1, v11  }
0x55: {  	v3 =	vld [tilespmem:s24+$0x150];
	[tilespmem:s22+$0x2960] =	vst v2  }
0x56: {  	v2 =	vld [tilespmem:s24+$0x160];
	[tilespmem:s22+$0x2970] =	vst v1;
	s22 =	smov.u32 s24  }
0x57: {  	v1 =	vld [tilespmem:s22+$0x170]  }
0x58: {  	v7 =	vld [tilespmem:s22+$0x2900]  }
0x59: {  	v8 =	vld [tilespmem:s22+$0x2910]  }
.Ltmp2:
0x5a: {  	v11 =	vld [tilespmem:s22+$0x2920];
	(pc) =	sbr.rel @p0 .LBB2_7-.Ltmp2, $4  }
0x5b: {  	v10 =	vld [tilespmem:s22+$0x2930]  }
0x5c: {  	v9 =	vld [tilespmem:s22+$0x2940]  }
0x5d: {  	v13 =	vmul.f32 v13, v7;
	v7 =	vld [tilespmem:s22+$0x2950]  }
0x5e: {  	s23 =	sadd.s32 $0x200, s23;
	v12 =	vmul.f32 v12, v8;
	v8 =	vld [tilespmem:s22+$0x2960]  }
0x5f: {  	[tilespmem:s22+$0x2900] =	vst v13;
	v6 =	vmul.f32 v6, v11;
	v63 =	vld [tilespmem:s22+$0x2970]  }
0x60: {  	[tilespmem:s22+$0x2910] =	vst v12;
	v5 =	vmul.f32 v5, v10  }
0x61: {  	[tilespmem:s22+$0x2920] =	vst v6;
	v4 =	vmul.f32 v4, v9  }
0x62: {  	[tilespmem:s22+$0x2930] =	vst v5;
	v3 =	vmul.f32 v3, v7  }
0x63: {  	[tilespmem:s22+$0x2940] =	vst v4;
	v2 =	vmul.f32 v2, v8  }
0x64: {  	s21 =	sadd.s32 $0x1, s21;
	[tilespmem:s22+$0x2950] =	vst v3;
	v1 =	vmul.f32 v1, v63  }
0x65: {  	p0 =	sne.s32 s21, $0x4B;
	[tilespmem:s22+$0x2960] =	vst v2  }
.Ltmp3:
0x66: {  	[tilespmem:s22+$0x2970] =	vst v1;
	(pc) =	sbr.rel @p0 .LBB2_6-.Ltmp3, $4  }
0x67: {  	[spmem:s2] =	stream.indirect.scatter.add.f32 [tilespmem:s18], [sflag:$0x1], $0x80, s15, s16, $0xb8;
	[tilespmem:$0x19900] =	vst v63  }
0x68: {  	_ =	swait.ge [sflag:s14], $0x2800  }
0x69: {  	[sflag:s14] =	ssyncset.done $0x0  }
0x6a: {  	[sflag:s14] =	ssyncadd.s32 $0xFFFFD800  }
0x6b: {  	[bflag:$0x0] =	sbarrier.arrive $0xFFFF  }
0x6c: {  	[tilespmem:s13], [sflag:$0x1] =	stream.linear.gather [spmem:s9], $0x800, $0x38;
	[tilespmem:$0x19900] =	vst v63  }
0x6d: {  	_ =	swait.ge [sflag:s14], $0x800  }
0x6e: {  	[sflag:s14] =	ssyncset.done $0x0  }
0x6f: {  	s20 =	sadd.s32 $0x0, s12;
	[sflag:s14] =	ssyncadd.s32 $0xFFFFF800  }
0x70: {  	[hbm4b:s20+s4] =	stream.linear.scatter [tilespmem:s13], [sflag:$0x1], $0x800, $0x38;
	[tilespmem:$0x19900] =	vst v63  }
0x71: {  	_ =	swait.ge [sflag:s14], $0x800  }
0x72: {  	s21 =	smov.u32 s9;
	s20 =	simm.s32 $0x100;
	[sflag:s14] =	ssyncset.done $0x0  }
.LBB2_10:
0x73: {  	p0 =	sne.s32 s20, $0x2700;
	[sflag:s14] =	ssyncadd.s32 $0xFFFFF800;
	s21 =	sadd.s32 $0x800, s21  }
0x74: {  	[tilespmem:s13], [sflag:$0x1] =	stream.linear.gather [spmem:s21], $0x800, $0x38;
	[tilespmem:$0x19900] =	vst v63  }
0x75: {  	s22 =	smov.u32 s20;
	s20 =	sadd.s32 $0x100, s20;
	_ =	swait.ge [sflag:s14], $0x800  }
.Ltmp4:
0x76: {  	[sflag:s14] =	ssyncset.done $0x0;
	(pc) =	sbr.rel @p0 .LBB2_10-.Ltmp4, $4  }
0x77: {  	s22 =	sadd.s32 s22, s12;
	[sflag:s14] =	ssyncadd.s32 $0xFFFFF800  }
0x78: {  	[hbm4b:s22+s4] =	stream.linear.scatter [tilespmem:s13], [sflag:$0x1], $0x800, $0x38;
	[tilespmem:$0x19900] =	vst v63  }
0x79: {  	_ =	swait.ge [sflag:s14], $0x800  }
0x7a: {  	[sflag:s14] =	ssyncset.done $0x0  }
0x7b: {  	s19 =	sadd.s32 $0x1, s19  }
0x7c: {  	p0 =	sne.s32 s19, s11  }
.Ltmp5:
0x7d: {  	_ = 	snop;
	(pc) =	sbr.rel @p0 .LBB2_1-.Ltmp5, $2  }
0x7e: {  	_ =	sdelay $0x2  }
0x7f: {  	[sflag:s14] =	ssyncadd.s32 $0xFFFFF800  }
0x80: {  	_ =	sfence.sel $0x180000  }
0x81: {  	[bflag:$0x0] =	sbarrier.arrive $0xFFFF  }
0x82: {  	p0 =	sne.s32 s3, $0x0;
	_ =	strace $0x90000047  }
0x83: {  	s0 =	sadd.s32 @!p0 $0x100000, s0;
	[bflag:$0x2] =	sbarrier.arrive $0xFFFF  }
0x84: {  	[sflag:s0] =	ssyncadd.tile.s32 @!p0 $0x1;
	_ =	shalt  }
.Lfunc_end2:
_tile_overlayer_lowered:
.L_overlay_start_2:
0x85: {  	(tag) =	ssettag $0x2  }
0x86: {  	s0 =	rddreg [dreg:$0x0];
	s2 =	stileid.u32  }
0x87: {  	s1 =	rddreg [dreg:$0x1];
	p0 =	sne.s32 s2, $0x0  }
0x88: {  	s3 =	rddreg [dreg:$0x2];
	[bflag:$0x3] =	sbarrier.arrive $0xFFFF;
	s2 =	simm.s32 @!p0 $0x1C01  }
0x89: {  	[timem:s3], [sflag:s2] =	dma.local @!p0 [hbm:s0], s1  }
0x8a: {  	s0 =	simm.s32 @!p0 $0x1  }
0x8b: {  	_ =	swait.ge @!p0 [sflag:s0], s1  }
0x8c: {  	s1 =	ssub.s32 @!p0 $0x0, s1;
	[sflag:s0] =	ssyncset.done @!p0 $0x0  }
0x8d: {  	[sflag:s0] =	ssyncadd.s32 @!p0 s1  }
0x8e: {  	[bflag:$0x3] =	sbarrier.arrive $0xFFFF  }
0x8f: {  	_ =	shalt  }

// kernel: kernel.8.cloned.1.call-start
scs
__scs_entry_jumppad:
0x0: {  	(pc) =	sbr.rel $0x88, $3  }
0x1: {  	(tag) =	ssettag $0x0;
	lr =	simm.s32 $0x1  }
0x2: {  	[smem:$0x3F94] =	sst lr;
	_ =	strace $0xD0000000  }
0x3: {  	_ = 	snop  }
0x4: {  	_ = 	snop  }
0x5: {  	_ = 	snop  }
0x6: {  	_ = 	snop  }
0x7: {  	_ = 	snop  }
__scs_overlays_trampoline_lowered:
0x8: {  	[smem:$0x3FA3] =	sst s0  }
0x9: {  	[smem:$0x3FA4] =	sst s1  }
0xa: {  	[smem:$0x3FA5] =	sst s2  }
0xb: {  	[smem:$0x3FA6] =	sst s3  }
0xc: {  	[smem:$0x3FA7] =	sst s4  }
0xd: {  	[smem:$0x3FA8] =	sst s5  }
0xe: {  	[smem:$0x3FA9] =	sst s6  }
0xf: {  	[smem:$0x3FAA] =	sst s7  }
0x10: {  	[smem:$0x3FAB] =	sst s8  }
0x11: {  	[smem:$0x3FAC] =	sst s9;
	s0 =	simm.s32 @!p0 $0x0  }
0x12: {  	s1 =	sld [smem:$0x3F92];
	s0 =	simm.s32 @p0 $0x1  }
0x13: {  	[smem:$0x3FAD] =	sst s0;
	s0 =	simm.s32 @!p1 $0x0  }
0x14: {  	s2 =	sld [smem:$0x3F91];
	s0 =	simm.s32 @p1 $0x1  }
0x15: {  	[smem:$0x3FAE] =	sst s0;
	s0 =	simm.s32 @!p2 $0x0  }
0x16: {  	s3 =	sld [smem:$0x3FDB];
	s0 =	simm.s32 @p2 $0x1  }
0x17: {  	s4 =	simm.s32 $0x1BF5;
	[smem:$0x3FB0] =	sst s0  }
0x18: {  	s0 =	sld [smem:$0x3F93];
	_ =	swait.ge [sflag:s4], $0x0  }
0x19: {  	s7 =	sld [smem:$0x3F94]  }
0x1a: {  	s8 =	sadd.s32 $0xFFFFE003, lr  }
0x1b: {  	s9 =	sadd.s32 $0xFFFFFEF7, lr;
	s5 =	simm.s32 $0xFFFFFFFF;
	p2 =	slt.u32 s8, $0xFFFFF086  }
0x1c: {  	p1 =	slt.u32 s9, $0xF7A;
	s5 =	simm.s32 @!p2 $0x0  }
0x1d: {  	s5 =	simm.s32 @p1 $0x1;
	p0 =	seq.s32 s7, s2  }
0x1e: {  	s7 =	smul.u32 @!p0 $0xF7A, s2;
	p2 =	seq.s32 @!p0 s5, $0x0  }
0x1f: {  	s9 =	smul.u32 $0xF7A, s1;
	s8 =	simm.s32 @!p0 $0x1BF5;
	p2 =	por !p2, p0  }
0x20: {  	[sflag:s8] =	ssyncset.s32 @!p0 $0xFFFFF086;
	s6 =	sadd.s32 @!p0 s3, s7;
	s7 =	simm.s32 @!p0 $0x108  }
0x21: {  	s3 =	sadd.s32 s3, s9;
	s6 =	sadd.s32 @!p0 $0x88, s6;
	s7 =	simm.s32 @p2 $0x1082  }
0x22: {  	[simem:s7], [sflag:s8] =	dma.local @!p0 [hbm:s6], $0xF7A  }
0x23: {  	s9 =	sor.u32 $0xD0000000, s2;
	s6 =	simm.s32 $0x108;
	_ =	swait.ge @!p0 [sflag:s8], $0x0  }
0x24: {  	s3 =	sadd.s32 $0x88, s3;
	s6 =	simm.s32 @!p1 $0x1082;
	[sflag:s4] =	ssyncset.s32 $0xFFFFF086  }
0x25: {  	[simem:s6], [sflag:s4] =	dma.local [hbm:s3], $0xF7A  }
0x26: {  	[smem:$0x3F94] =	sst s1;
	(tag) =	ssettag s2;
	_ =	strace s9  }
0x27: {  	s1 =	sld [smem:$0x3FA4]  }
0x28: {  	s2 =	sld [smem:$0x3FA5]  }
0x29: {  	s4 =	sld [smem:$0x3FA7]  }
0x2a: {  	p0 =	seq.s32 s5, $0x0;
	s5 =	sld [smem:$0x3FA8]  }
0x2b: {  	s6 =	sld [smem:$0x3FA9]  }
0x2c: {  	s7 =	sld [smem:$0x3FAA]  }
0x2d: {  	s3 =	simm.s32 $0x108;
	s8 =	sld [smem:$0x3FAB]  }
0x2e: {  	s3 =	simm.s32 @!p0 $0x1082;
	s9 =	sld [smem:$0x3FAC]  }
0x2f: {  	lr =	sadd.s32 s0, s3;
	s0 =	sld [smem:$0x3FA3]  }
0x30: {  	s3 =	sld [smem:$0x3FA6]  }
0x31: {  	[smem:$0x3FAF] =	sst s10  }
0x32: {  	s10 =	sld [smem:$0x3FAD];
	_ =	sdelay $0x3  }
0x33: {  	p0 =	seq.s32 s10, $0x1;
	s10 =	sld [smem:$0x3FAF];
	_ =	sdelay $0x3  }
0x34: {  	[smem:$0x3FAF] =	sst s10  }
0x35: {  	s10 =	sld [smem:$0x3FAE];
	_ =	sdelay $0x3  }
0x36: {  	p1 =	seq.s32 s10, $0x1;
	s10 =	sld [smem:$0x3FAF];
	_ =	sdelay $0x3  }
0x37: {  	[smem:$0x3FAF] =	sst s10  }
0x38: {  	s10 =	sld [smem:$0x3FB0]  }
0x39: {  	_ = 	snop;
	(pc) =	sbr.ind lr, $3  }
0x3a: {  	_ = 	snop  }
0x3b: {  	_ = 	snop  }
0x3c: {  	p2 =	seq.s32 s10, $0x1;
	s10 =	sld [smem:$0x3FAF]  }
0x3d: {  	_ =	shalt  }
0x3e: {  	_ =	shalt  }
0x3f: {  	_ =	shalt  }
0x40: {  	_ =	shalt  }
0x41: {  	_ =	shalt  }
0x42: {  	_ =	shalt  }
0x43: {  	_ =	shalt  }
0x44: {  	_ =	shalt  }
0x45: {  	_ =	shalt  }
0x46: {  	_ =	shalt  }
0x47: {  	_ =	shalt  }
0x48: {  	_ =	shalt  }
0x49: {  	_ =	shalt  }
0x4a: {  	_ =	shalt  }
0x4b: {  	_ =	shalt  }
0x4c: {  	_ =	shalt  }
0x4d: {  	_ =	shalt  }
0x4e: {  	_ =	shalt  }
0x4f: {  	_ =	shalt  }
0x50: {  	_ =	shalt  }
0x51: {  	_ =	shalt  }
0x52: {  	_ =	shalt  }
0x53: {  	_ =	shalt  }
0x54: {  	_ =	shalt  }
0x55: {  	_ =	shalt  }
0x56: {  	_ =	shalt  }
0x57: {  	_ =	shalt  }
0x58: {  	_ =	shalt  }
0x59: {  	_ =	shalt  }
0x5a: {  	_ =	shalt  }
0x5b: {  	_ =	shalt  }
0x5c: {  	_ =	shalt  }
0x5d: {  	_ =	shalt  }
0x5e: {  	_ =	shalt  }
0x5f: {  	_ =	shalt  }
0x60: {  	_ =	shalt  }
0x61: {  	_ =	shalt  }
0x62: {  	_ =	shalt  }
0x63: {  	_ =	shalt  }
0x64: {  	_ =	shalt  }
0x65: {  	_ =	shalt  }
0x66: {  	_ =	shalt  }
0x67: {  	_ =	shalt  }
0x68: {  	_ =	shalt  }
0x69: {  	_ =	shalt  }
0x6a: {  	_ =	shalt  }
0x6b: {  	_ =	shalt  }
0x6c: {  	_ =	shalt  }
0x6d: {  	_ =	shalt  }
0x6e: {  	_ =	shalt  }
0x6f: {  	_ =	shalt  }
0x70: {  	_ =	shalt  }
0x71: {  	_ =	shalt  }
0x72: {  	_ =	shalt  }
0x73: {  	_ =	shalt  }
0x74: {  	_ =	shalt  }
0x75: {  	_ =	shalt  }
0x76: {  	_ =	shalt  }
0x77: {  	_ =	shalt  }
0x78: {  	_ =	shalt  }
0x79: {  	_ =	shalt  }
0x7a: {  	_ =	shalt  }
0x7b: {  	_ =	shalt  }
0x7c: {  	_ =	shalt  }
0x7d: {  	_ =	shalt  }
0x7e: {  	_ =	shalt  }
0x7f: {  	_ =	shalt  }
0x80: {  	_ =	shalt  }
0x81: {  	_ =	shalt  }
0x82: {  	_ =	shalt  }
0x83: {  	_ =	shalt  }
0x84: {  	_ =	shalt  }
0x85: {  	_ =	shalt  }
0x86: {  	_ =	shalt  }
0x87: {  	_ =	shalt  }
.Lfunc_end0:
.L_simem_size_0:
called_computation_lowered:
.L_overlay_start_0:
0x88: {  	s2 =	sld [smem:$0x3FD9]  }
0x89: {  	s3 =	sld [smem:$0x3FFE];
	_ =	sdelay $0x1  }
0x8a: {  	s1 =	srdreg.scid  }
0x8b: {  	s0 =	sand.u32 $0x1, s1  }
0x8c: {  	s17 =	sshll.u32 s0, $0xA;
	s2 =	sadd.s32 s3, s2  }
0x8d: {  	s2 =	sadd.s32 s2, s17  }
0x8e: {  	[smem:$0x3FBB] =	sst s2  }
0x8f: {  	_ = 	snop  }
0x90: {  	s18 =	sld [smem:$0x3FD0];
	(tm) =	ssettm $0x1  }
0x91: {  	s19 =	sld [smem:$0x3FFB];
	_ =	sdelay $0x3  }
0x92: {  	_ =	strace s19  }
0x93: {  	s2 =	sld [smem:$0x3FFC];
	_ =	sdelay $0x3  }
0x94: {  	_ =	strace s2  }
0x95: {  	s2 =	sld [smem:$0x3FFD];
	_ =	sdelay $0x3  }
0x96: {  	_ =	strace s2  }
0x97: {  	_ =	strace $0x8FFFFFFF  }
0x98: {  	s20 =	sld [smem:$0x3FDB];
	_ =	sdelay $0x1  }
0x99: {  	s4 =	simm.s32 $_scs_section_size  }
0x9a: {  	s5 =	simm.s32 $_size__tile_overlayer_lowered;
	s6 =	simm.s32 $_tile_overlayer_lowered  }
0x9b: {  	s7 =	simm.s32 $0x1BFF;
	s21 =	sshll.u32 s6, $0x1;
	s4 =	sadd.s32 s4, s20  }
0x9c: {  	s22 =	simm.s32 $0x0;
	s5 =	sshll.u32 s5, $0x1;
	s6 =	sadd.s32 s21, s4  }
0x9d: {  	[timem:s22], [sflag:s7] =	dma.local [hbm:s6], s5  }
0x9e: {  	_ =	swait.ge [sflag:s7], s5  }
0x9f: {  	s5 =	ssub.s32 $0x0, s5;
	[sflag:s7] =	ssyncset.done $0x0  }
0xa0: {  	[sflag:s7] =	ssyncadd.s32 s5;
	_ =	sdelay $0x1  }
0xa1: {  	s23 =	simm.s32 $0x1B8B  }
0xa2: {  	_ =	swait.ge [sflag:s23], $0x1  }
0xa3: {  	[sflag:s23] =	ssyncset.done $0x0  }
0xa4: {  	[sflag:s23] =	ssyncadd.s32 $0xFFFFFFFF  }
0xa5: {  	s5 =	sld [smem:$0x0]  }
0xa6: {  	s6 =	sand.u32 $0xFFFFFFFE, s1  }
0xa7: {  	p0 =	sne.s32 s1, s6  }
0xa8: {  	s6 =	sshll.u32 @p0 s6, $0xE  }
0xa9: {  	s6 =	sadd.s32 @p0 $0x11B8D, s6;
	s7 =	sshll.u32 @p0 s5, $0x11  }
0xaa: {  	s6 =	sor.u32 @p0 s7, s6  }
0xab: {  	[sflag:s6] =	ssyncadd.remote.s32 @p0 $0x1;
	_ =	sdelay $0x1  }
0xac: {  	s6 =	simm.s32 @p0 $0x1B8D  }
0xad: {  	_ =	swait.eq @p0 [sflag:s6], $0x1  }
0xae: {  	[sflag:s6] =	ssyncadd.s32 @p0 $0xFFFFFFFF  }
0xaf: {  	s7 =	sshll.u32 @!p0 s1, $0xE  }
0xb0: {  	s7 =	sor.u32 @!p0 $0x4000, s7;
	s6 =	simm.s32 @!p0 $0x1B8D  }
0xb1: {  	s5 =	sshll.u32 @!p0 s5, $0x11;
	s7 =	sadd.s32 @!p0 $0x11B8D, s7;
	_ =	swait.eq @!p0 [sflag:s6], $0x1  }
0xb2: {  	s5 =	sor.u32 @!p0 s5, s7;
	[sflag:s6] =	ssyncadd.s32 @!p0 $0xFFFFFFFF  }
0xb3: {  	s25 =	simm.s32 $0x1B8E;
	s24 =	sld [smem:$0x3FFE];
	[sflag:s5] =	ssyncadd.remote.s32 @!p0 $0x1  }
0xb4: {  	s26 =	simm.s32 $execute0_lowered;
	[smem:$0x3FD2] =	sst s25  }
0xb5: {  	s6 =	sshll.u32 s26, $0x1;
	_ =	strace $0x80000049;
	[dreg:$0x1] =	wrdreg $0xFFFFFFFF  }
0xb6: {  	s28 =	simm.s32 $_size_execute0_lowered;
	s4 =	sadd.s32 s4, s6;
	[dreg:$0x0] =	wrdreg $0x0  }
0xb7: {  	s6 =	sshll.u32 s28, $0x1;
	[dreg:$0x2] =	wrdreg s4  }
0xb8: {  	[dreg:$0x3] =	wrdreg s6  }
0xb9: {  	[dreg:$0x4] =	wrdreg $0xC0  }
0xba: {  	_ =	task [dreg:s22], $0x5FFFF  }
0xbb: {  	[dreg:$0x1] =	wrdreg $0xFFFFFFFF  }
0xbc: {  	[dreg:$0x0] =	wrdreg $0x60  }
0xbd: {  	[dreg:$0x2] =	wrdreg s18  }
0xbe: {  	[dreg:$0x3] =	wrdreg s24  }
0xbf: {  	[dreg:$0x4] =	wrdreg $0x59000  }
0xc0: {  	[dreg:$0x5] =	wrdreg $0x9  }
0xc1: {  	_ =	task.clear_ibuf [dreg:s22], $0x6FFFF;
	_ =	strace $0x90000049  }
0xc2: {  	s29 =	simm.s32 $0x9;
	_ =	strace $0x8000004B  }
0xc3: {  	_ =	swait.ge [sflag:s29], $0x1  }
0xc4: {  	[sflag:s29] =	ssyncadd.s32 $0xFFFFFFFF  }
0xc5: {  	_ =	strace $0x9000004B  }
0xc6: {  	_ =	sfence  }
0xc7: {  	s30 =	sld [smem:$0x0];
	_ =	sdelay $0x2  }
0xc8: {  	s31 =	sshll.u32 s1, $0xD;
	s1 =	sshrl.u32 s1, $0x2  }
0xc9: {  	s4 =	sand.u32 $0x4000, s31;
	s1 =	sadd.s32 s1, s30  }
0xca: {  	s0 =	sor.u32 s4, s0;
	s1 =	sshll.u32 s1, $0x11  }
0xcb: {  	s0 =	sor.u32 s1, s0  }
0xcc: {  	s0 =	sadd.s32 $0x8F2B, s0  }
0xcd: {  	[sflag:s0] =	ssyncadd.remote.s32 $0x1  }
0xce: {  	_ =	sfence.sel $0xFFFF  }
0xcf: {  	[dreg:$0x0] =	wrdreg $0xFFFFFFFF;
	(pc) =	sbr.abs _section_cstart, $3  }
0xd0: {  	[dreg:$0x1] =	wrdreg $0xFFFFFFFF  }
0xd1: {  	_ =	task.clear_ibuf [dreg:s22], $0x2FFFF;
	_ =	strace $0x9FFFFFFF  }
0xd2: {  	(tm) =	ssettm $0x7FFFFFFF  }
0xd3: {  	_ =	shalt  }
tec
execute0_lowered:
.L_overlay_start_1:
0x0: {  	(tag) =	ssettag $0x1  }
0x1: {  	s1 =	rddreg [dreg:$0x0]  }
0x2: {  	s8 =	rddreg [dreg:$0x1]  }
0x3: {  	s2 =	rddreg [dreg:$0x2];
	s3 =	srdreg.scid  }
0x4: {  	s0 =	rddreg [dreg:$0x3];
	s4 =	simm.s32 $0x0;
	s15 =	simm.s32 $0x80  }
0x5: {  	s16 =	simm.s32 $0x50;
	s17 =	simm.s32 $0x100;
	s18 =	simm.s32 $0x2900  }
0x6: {  	s19 =	simm.s32 $0x0;
	s9 =	sand.u32 $0x1, s3;
	s5 =	sadd.s32 $0x353A00, s8  }
0x7: {  	s3 =	stileid.u32;
	s6 =	sadd.s32 $0x547A00, s8;
	s10 =	smul.u32 $0x140000, s9  }
0x8: {  	[smem:$0x7FF] =	sst s4;
	s7 =	sadd.s32 $0x54EA00, s8;
	s11 =	smul.u32 $0x14000, s3  }
0x9: {  	_ =	strace $0x8000004A;
	s12 =	smul.u32 $0x50000, s3;
	s30 =	ssub.s32 $0x2, s9  }
0xa: {  	s29 =	sshll.u32 s3, $0x1;
	s31 =	sshrl.u32 s30, $0x1;
	s10 =	sadd.s32 s11, s10  }
0xb: {  	s11 =	sor.u32 s9, s29;
	s12 =	sshrl.u32 s12, $0x2;
	s10 =	sshrl.u32 s10, $0x3  }
0xc: {  	s14 =	ssub.s32 s30, s31;
	s13 =	sadd.s32 s10, s8;
	s8 =	smul.u32 $0xFA0, s11  }
0xd: {  	s9 =	sadd.s32 s12, s2;
	s10 =	smul.u32 $0x1C00, s11;
	s11 =	smax.u32 s14, $0x1  }
0xe: {  	v0 =	vimm.f32 $0.0e+00;
	s14 =	simm.s32 $0x1;
	s12 =	sadd.s32 $0x555A00, s13;
	s13 =	simm.s32 $0x5100  }
.LBB2_1:
0xf: {  	s20 =	simm.s32 $0x0;
	s21 =	simm.s32 $0x200  }
.LBB2_2:
0x10: {  	p0 =	sne.s32 s21, $0x1E00;
	[tilespmem:s20+$0x5170] =	vst v0  }
0x11: {  	[tilespmem:s20+$0x5100] =	vst v0  }
0x12: {  	[tilespmem:s20+$0x5110] =	vst v0  }
.Ltmp0:
0x13: {  	[tilespmem:s20+$0x5120] =	vst v0;
	(pc) =	sbr.rel @p0 .LBB2_2-.Ltmp0, $4  }
0x14: {  	[tilespmem:s20+$0x5130] =	vst v0  }
0x15: {  	[tilespmem:s20+$0x5140] =	vst v0  }
0x16: {  	[tilespmem:s20+$0x5150] =	vst v0  }
0x17: {  	[tilespmem:s20+$0x5160] =	vst v0;
	s20 =	sshra.s32 s21, $0x2;
	s21 =	sadd.s32 $0x200, s21  }
0x18: {  	[tilespmem:s20+$0x5170] =	vst v0  }
0x19: {  	[tilespmem:s20+$0x5100] =	vst v0  }
0x1a: {  	[tilespmem:s20+$0x5110] =	vst v0  }
0x1b: {  	[tilespmem:s20+$0x5120] =	vst v0  }
0x1c: {  	[tilespmem:s20+$0x5130] =	vst v0  }
0x1d: {  	[tilespmem:s20+$0x5140] =	vst v0  }
0x1e: {  	[tilespmem:s20+$0x5150] =	vst v0  }
0x1f: {  	[tilespmem:s20+$0x5160] =	vst v0;
	s31 =	sadd.s32 $0x0, s9  }
0x20: {  	[spmem:s31] =	stream.linear.scatter [tilespmem:s13], [sflag:$0x1], $0x800, $0x38;
	[tilespmem:$0x19900] =	vst v63  }
0x21: {  	s20 =	simm.s32 $0x2000;
	_ =	swait.ge [sflag:s14], $0x800  }
.LBB2_4:
0x22: {  	s21 =	sshra.s32 s20, $0x2;
	[sflag:s14] =	ssyncset.done $0x0;
	p0 =	sne.s32 s20, $0x4E000  }
.Ltmp1:
0x23: {  	s21 =	sadd.s32 s21, s9;
	[sflag:s14] =	ssyncadd.s32 $0xFFFFF800;
	(pc) =	sbr.rel @p0 .LBB2_4-.Ltmp1, $3  }
0x24: {  	[spmem:s21] =	stream.linear.scatter [tilespmem:s13], [sflag:$0x1], $0x800, $0x38;
	[tilespmem:$0x19900] =	vst v63  }
0x25: {  	s20 =	sadd.s32 $0x2000, s20;
	_ =	sdelay $0x1  }
0x26: {  	_ =	swait.ge [sflag:s14], $0x800  }
0x27: {  	[sflag:s14] =	ssyncset.done $0x0  }
0x28: {  	[sflag:s14] =	ssyncadd.s32 $0xFFFFF800  }
0x29: {  	s20 =	simm.s32 $0x0;
	s21 =	simm.s32 $0x0;
	[bflag:$0x0] =	sbarrier.arrive $0xFFFF  }
.LBB2_6:
0x2a: {  	s22 =	sshll.u32 s21, $0x7  }
0x2b: {  	s23 =	sand.u32 $0x1C00, s22  }
0x2c: {  	s22 =	sand.u32 $0x380, s22;
	s23 =	sadd.s32 s10, s23  }
0x2d: {  	s22 =	sor.u32 s22, s23  }
0x2e: {  	s22 =	sshrl.u32 s22, $0x3  }
0x2f: {  	s30 =	sadd.s32 s6, s22  }
0x30: {  	[tilespmem:s20], [sflag:$0x1] =	stream.linear.gather [hbm4b:s30+s20], $0x80, $0x38;
	[tilespmem:$0x19900] =	vst v63  }
0x31: {  	_ =	swait.ge [sflag:s14], $0x80  }
0x32: {  	[sflag:s14] =	ssyncset.done $0x0  }
0x33: {  	s22 =	sadd.s32 s7, s22;
	[sflag:s14] =	ssyncadd.s32 $0xFFFFFF80  }
0x34: {  	[tilespmem:s15], [sflag:$0x1] =	stream.linear.gather [hbm4b:s22+s20], $0x80, $0x38;
	[tilespmem:$0x19900] =	vst v63  }
0x35: {  	_ =	swait.ge [sflag:s14], $0x80  }
0x36: {  	[sflag:s14] =	ssyncset.done $0x0  }
0x37: {  	s31 =	smul.u32 $0x50, s21;
	[sflag:s14] =	ssyncadd.s32 $0xFFFFFF80  }
0x38: {  	[tilespmem:s17], [sflag:$0x1] =	stream.indirect.gather [hbm4b:s1+s16], $0x80, s20, s16, $0xb8;
	[tilespmem:$0x19900] =	vst v63  }
0x39: {  	s22 =	sadd.s32 s8, s31;
	_ =	swait.ge [sflag:s14], $0x2800  }
0x3a: {  	s22 =	sshll.u32 s22, $0x4;
	[sflag:s14] =	ssyncset.done $0x0  }
0x3b: {  	s22 =	sadd.s32 s5, s22;
	[sflag:s14] =	ssyncadd.s32 $0xFFFFD800  }
0x3c: {  	[tilespmem:s18], [sflag:$0x1] =	stream.linear.gather [hbm4b:s22+s20], $0x2800, $0x38;
	[tilespmem:$0x19900] =	vst v63  }
0x3d: {  	_ =	swait.ge [sflag:s14], $0x2800  }
0x3e: {  	[sflag:s14] =	ssyncset.done $0x0  }
0x3f: {  	s22 =	simm.s32 $0x0;
	[sflag:s14] =	ssyncadd.s32 $0xFFFFD800  }
0x40: {  	v8 =	vld [tilespmem:s22+$0x100]  }
0x41: {  	v12 =	vld [tilespmem:s22+$0x110]  }
0x42: {  	v6 =	vld [tilespmem:s22+$0x120]  }
0x43: {  	v5 =	vld [tilespmem:s22+$0x130]  }
0x44: {  	v4 =	vld [tilespmem:s22+$0x140]  }
0x45: {  	v3 =	vld [tilespmem:s22+$0x150]  }
0x46: {  	v2 =	vld [tilespmem:s22+$0x160]  }
0x47: {  	v1 =	vld [tilespmem:s22+$0x170]  }
0x48: {  	v13 =	vld [tilespmem:s22+$0x2900]  }
0x49: {  	v14 =	vld [tilespmem:s22+$0x2910]  }
0x4a: {  	v11 =	vld [tilespmem:s22+$0x2920]  }
0x4b: {  	v10 =	vld [tilespmem:s22+$0x2930]  }
0x4c: {  	v9 =	vld [tilespmem:s22+$0x2940]  }
0x4d: {  	v7 =	vld [tilespmem:s22+$0x2950];
	v13 =	vmul.f32 v8, v13  }
0x4e: {  	s23 =	simm.s32 $0x200;
	v12 =	vmul.f32 v12, v14;
	v8 =	vld [tilespmem:s22+$0x2960]  }
.LBB2_7:
0x4f: {  	s24 =	sshra.s32 s23, $0x2;
	p0 =	sne.s32 s23, $0x9E00;
	[tilespmem:s22+$0x2900] =	vst v13;
	v6 =	vmul.f32 v6, v11;
	v11 =	vld [tilespmem:s22+$0x2970]  }
0x50: {  	v13 =	vld [tilespmem:s24+$0x100];
	[tilespmem:s22+$0x2910] =	vst v12;
	v5 =	vmul.f32 v5, v10  }
0x51: {  	v12 =	vld [tilespmem:s24+$0x110];
	[tilespmem:s22+$0x2920] =	vst v6;
	v4 =	vmul.f32 v4, v9  }
0x52: {  	v6 =	vld [tilespmem:s24+$0x120];
	[tilespmem:s22+$0x2930] =	vst v5;
	v3 =	vmul.f32 v3, v7  }
0x53: {  	v5 =	vld [tilespmem:s24+$0x130];
	[tilespmem:s22+$0x2940] =	vst v4;
	v2 =	vmul.f32 v2, v8  }
0x54: {  	v4 =	vld [tilespmem:s24+$0x140];
	[tilespmem:s22+$0x2950] =	vst v3;
	v1 =	vmul.f32 v1, v11  }
0x55: {  	v3 =	vld [tilespmem:s24+$0x150];
	[tilespmem:s22+$0x2960] =	vst v2  }
0x56: {  	v2 =	vld [tilespmem:s24+$0x160];
	[tilespmem:s22+$0x2970] =	vst v1;
	s22 =	smov.u32 s24  }
0x57: {  	v1 =	vld [tilespmem:s22+$0x170]  }
0x58: {  	v7 =	vld [tilespmem:s22+$0x2900]  }
0x59: {  	v8 =	vld [tilespmem:s22+$0x2910]  }
.Ltmp2:
0x5a: {  	v11 =	vld [tilespmem:s22+$0x2920];
	(pc) =	sbr.rel @p0 .LBB2_7-.Ltmp2, $4  }
0x5b: {  	v10 =	vld [tilespmem:s22+$0x2930]  }
0x5c: {  	v9 =	vld [tilespmem:s22+$0x2940]  }
0x5d: {  	v13 =	vmul.f32 v13, v7;
	v7 =	vld [tilespmem:s22+$0x2950]  }
0x5e: {  	s23 =	sadd.s32 $0x200, s23;
	v12 =	vmul.f32 v12, v8;
	v8 =	vld [tilespmem:s22+$0x2960]  }
0x5f: {  	[tilespmem:s22+$0x2900] =	vst v13;
	v6 =	vmul.f32 v6, v11;
	v63 =	vld [tilespmem:s22+$0x2970]  }
0x60: {  	[tilespmem:s22+$0x2910] =	vst v12;
	v5 =	vmul.f32 v5, v10  }
0x61: {  	[tilespmem:s22+$0x2920] =	vst v6;
	v4 =	vmul.f32 v4, v9  }
0x62: {  	[tilespmem:s22+$0x2930] =	vst v5;
	v3 =	vmul.f32 v3, v7  }
0x63: {  	[tilespmem:s22+$0x2940] =	vst v4;
	v2 =	vmul.f32 v2, v8  }
0x64: {  	s21 =	sadd.s32 $0x1, s21;
	[tilespmem:s22+$0x2950] =	vst v3;
	v1 =	vmul.f32 v1, v63  }
0x65: {  	p0 =	sne.s32 s21, $0x32;
	[tilespmem:s22+$0x2960] =	vst v2  }
.Ltmp3:
0x66: {  	[tilespmem:s22+$0x2970] =	vst v1;
	(pc) =	sbr.rel @p0 .LBB2_6-.Ltmp3, $4  }
0x67: {  	[spmem:s2] =	stream.indirect.scatter.add.f32 [tilespmem:s18], [sflag:$0x1], $0x80, s15, s16, $0xb8;
	[tilespmem:$0x19900] =	vst v63  }
0x68: {  	_ =	swait.ge [sflag:s14], $0x2800  }
0x69: {  	[sflag:s14] =	ssyncset.done $0x0  }
0x6a: {  	[sflag:s14] =	ssyncadd.s32 $0xFFFFD800  }
0x6b: {  	[bflag:$0x0] =	sbarrier.arrive $0xFFFF  }
0x6c: {  	[tilespmem:s13], [sflag:$0x1] =	stream.linear.gather [spmem:s9], $0x800, $0x38;
	[tilespmem:$0x19900] =	vst v63  }
0x6d: {  	_ =	swait.ge [sflag:s14], $0x800  }
0x6e: {  	[sflag:s14] =	ssyncset.done $0x0  }
0x6f: {  	s20 =	sadd.s32 $0x0, s12;
	[sflag:s14] =	ssyncadd.s32 $0xFFFFF800  }
0x70: {  	[hbm4b:s20+s4] =	stream.linear.scatter [tilespmem:s13], [sflag:$0x1], $0x800, $0x38;
	[tilespmem:$0x19900] =	vst v63  }
0x71: {  	_ =	swait.ge [sflag:s14], $0x800  }
0x72: {  	s21 =	smov.u32 s9;
	s20 =	simm.s32 $0x100;
	[sflag:s14] =	ssyncset.done $0x0  }
.LBB2_10:
0x73: {  	p0 =	sne.s32 s20, $0x2700;
	[sflag:s14] =	ssyncadd.s32 $0xFFFFF800;
	s21 =	sadd.s32 $0x800, s21  }
0x74: {  	[tilespmem:s13], [sflag:$0x1] =	stream.linear.gather [spmem:s21], $0x800, $0x38;
	[tilespmem:$0x19900] =	vst v63  }
0x75: {  	s22 =	smov.u32 s20;
	s20 =	sadd.s32 $0x100, s20;
	_ =	swait.ge [sflag:s14], $0x800  }
.Ltmp4:
0x76: {  	[sflag:s14] =	ssyncset.done $0x0;
	(pc) =	sbr.rel @p0 .LBB2_10-.Ltmp4, $4  }
0x77: {  	s22 =	sadd.s32 s22, s12;
	[sflag:s14] =	ssyncadd.s32 $0xFFFFF800  }
0x78: {  	[hbm4b:s22+s4] =	stream.linear.scatter [tilespmem:s13], [sflag:$0x1], $0x800, $0x38;
	[tilespmem:$0x19900] =	vst v63  }
0x79: {  	_ =	swait.ge [sflag:s14], $0x800  }
0x7a: {  	[sflag:s14] =	ssyncset.done $0x0  }
0x7b: {  	s19 =	sadd.s32 $0x1, s19  }
0x7c: {  	p0 =	sne.s32 s19, s11  }
.Ltmp5:
0x7d: {  	_ = 	snop;
	(pc) =	sbr.rel @p0 .LBB2_1-.Ltmp5, $2  }
0x7e: {  	_ =	sdelay $0x2  }
0x7f: {  	[sflag:s14] =	ssyncadd.s32 $0xFFFFF800  }
0x80: {  	_ =	sfence.sel $0x180000  }
0x81: {  	[bflag:$0x0] =	sbarrier.arrive $0xFFFF  }
0x82: {  	p0 =	sne.s32 s3, $0x0;
	_ =	strace $0x9000004A  }
0x83: {  	s0 =	sadd.s32 @!p0 $0x100000, s0;
	[bflag:$0x2] =	sbarrier.arrive $0xFFFF  }
0x84: {  	[sflag:s0] =	ssyncadd.tile.s32 @!p0 $0x1;
	_ =	shalt  }
.Lfunc_end2:
_tile_overlayer_lowered:
.L_overlay_start_2:
0x85: {  	(tag) =	ssettag $0x2  }
0x86: {  	s0 =	rddreg [dreg:$0x0];
	s2 =	stileid.u32  }
0x87: {  	s1 =	rddreg [dreg:$0x1];
	p0 =	sne.s32 s2, $0x0  }
0x88: {  	s3 =	rddreg [dreg:$0x2];
	[bflag:$0x3] =	sbarrier.arrive $0xFFFF;
	s2 =	simm.s32 @!p0 $0x1C01  }
0x89: {  	[timem:s3], [sflag:s2] =	dma.local @!p0 [hbm:s0], s1  }
0x8a: {  	s0 =	simm.s32 @!p0 $0x1  }
0x8b: {  	_ =	swait.ge @!p0 [sflag:s0], s1  }
0x8c: {  	s1 =	ssub.s32 @!p0 $0x0, s1;
	[sflag:s0] =	ssyncset.done @!p0 $0x0  }
0x8d: {  	[sflag:s0] =	ssyncadd.s32 @!p0 s1  }
0x8e: {  	[bflag:$0x3] =	sbarrier.arrive $0xFFFF  }
0x8f: {  	_ =	shalt  }

</sc_bundles>
